<compile_context>
chip_gen: v7x
topology: tpu7x:2x2x1
jax: 0.10.2.dev20260603
libtpu: 0.0.44.dev20260713+nightly
codegen_flags: <defaults>
</compile_context>

<pallas_src>
import functools

import jax
import jax.numpy as jnp
import numpy as np
from jax import lax
from jax.experimental import pallas as pl
from jax.experimental.pallas import tpu as pltpu
from jax.experimental.pallas import tpu_sc as plsc

B = 4096
DENSE = 13
NS = 26
L = 50
VOCAB = 100000
D = 16
H1, H2 = 64, 32

NC = 2
NSC = 16
NW = NC * NSC
BPW = B // NW
CH = 2
RC = BPW // CH
SPC = RC * NS
VPC = RC * L
IDC = NS + L + 1

_SC_PARAMS = None


def _sc_compiler_params():
    return pltpu.CompilerParams(
        use_tc_tiling_on_sc=False, needs_layout_passes=False)


@functools.cache
def _build_sc_var():
    mesh = plsc.VectorSubcoreMesh(core_axis_name="c", subcore_axis_name="s")
    return functools.partial(
        pl.kernel,
        mesh=mesh,
        out_type=jax.ShapeDtypeStruct((B * L, D), jnp.float32),
        scratch_types=[
            pltpu.VMEM((BPW, IDC), jnp.int32),
            pltpu.VMEM((BPW * L,), jnp.int32),
            pltpu.VMEM((BPW * L, D), jnp.float32),
            pltpu.SemaphoreType.DMA,
        ],
        compiler_params=_sc_compiler_params(),
    )(_sc_var_body)


def _sc_var_body(ids_hbm, var_tab_hbm, var_out_hbm,
                 ids_v, var_idx_v, var_rows_v, sem0):
    wid = lax.axis_index("s") * NC + lax.axis_index("c")
    base = wid * BPW
    pltpu.sync_copy(ids_hbm.at[pl.ds(base, BPW)], ids_v)

    def var_body(k, bj):
        b, j = bj
        var_idx_v[pl.ds(k * 16, 16)] = plsc.load_gather(ids_v, [b, j + NS])
        j2 = j + 16
        wrap = j2 >= L
        j2 = jnp.where(wrap, j2 - L, j2)
        b2 = b + wrap.astype(jnp.int32)
        return (b2, j2)

    lane = lax.iota(jnp.int32, 16)
    lax.fori_loop(0, BPW * L // 16, var_body,
                  (jnp.zeros((16,), jnp.int32), lane))
    pltpu.async_copy(var_tab_hbm.at[var_idx_v], var_rows_v, sem0).wait()
    pltpu.sync_copy(var_rows_v, var_out_hbm.at[pl.ds(base * L, BPW * L)])


@functools.cache
def _build_sc_sp():
    mesh = plsc.VectorSubcoreMesh(core_axis_name="c", subcore_axis_name="s")
    return functools.partial(
        pl.kernel,
        mesh=mesh,
        out_type=jax.ShapeDtypeStruct((B * NS * D,), jnp.float32),
        scratch_types=[
            pltpu.VMEM((BPW, IDC), jnp.int32),
            pltpu.VMEM((BPW * NS * D,), jnp.int32),
            pltpu.VMEM((BPW * NS * D,), jnp.float32),
            pltpu.SemaphoreType.DMA,
            pltpu.SemaphoreType.DMA,
        ],
        compiler_params=_sc_compiler_params(),
    )(_sc_sp_body)


def _sc_sp_body(ids_hbm, sp_tab_hbm, sp_out_hbm,
                ids_v, sp_idx_v, sp_rows_v, sem0, sem1):
    wid = lax.axis_index("s") * NC + lax.axis_index("c")
    base = wid * BPW
    diota = lax.iota(jnp.int32, 16) * VOCAB
    pltpu.sync_copy(ids_hbm.at[pl.ds(base, BPW)], ids_v)

    HB = BPW // 2
    HE = HB * NS * D

    def sp_body(b, c):
        boff = b * (NS * D)
        b_splat = jnp.full((16,), b, jnp.int32)
        for i in range(NS):
            v = plsc.load_gather(ids_v, [b_splat, jnp.full((16,), i, jnp.int32)])
            sp_idx_v[pl.ds(boff + i * D, 16)] = diota + v + (i * D * VOCAB)
        return c

    lax.fori_loop(0, HB, sp_body, 0)
    cp0 = pltpu.async_copy(sp_tab_hbm.at[sp_idx_v.at[pl.ds(0, HE)]],
                           sp_rows_v.at[pl.ds(0, HE)], sem0)
    lax.fori_loop(HB, BPW, sp_body, 0)
    cp1 = pltpu.async_copy(sp_tab_hbm.at[sp_idx_v.at[pl.ds(HE, HE)]],
                           sp_rows_v.at[pl.ds(HE, HE)], sem1)
    cp0.wait()
    pltpu.sync_copy(sp_rows_v.at[pl.ds(0, HE)],
                    sp_out_hbm.at[pl.ds(base * NS * D, HE)])
    cp1.wait()
    pltpu.sync_copy(sp_rows_v.at[pl.ds(HE, HE)],
                    sp_out_hbm.at[pl.ds(base * NS * D + HE, HE)])


TB = 512


def _mlp_body(inp_ref, sp_ref, var_ref, sel_ref, w1_ref, b1_ref, w2_ref,
              b2_ref, wo_ref, p0_ref, p1_ref, l0_ref, l1_ref):
    dense = inp_ref[:, 0:DENSE]
    lens = inp_ref[:, DENSE + NS + L:DENSE + NS + L + 1].astype(jnp.int32)
    jidx = lax.broadcasted_iota(jnp.int32, (TB, L * D), 1) // D
    m = (jidx < lens).astype(jnp.float32)
    masked = var_ref[:] * m
    avg = masked @ sel_ref[:]
    x1 = dense @ w1_ref[0:DENSE, :]
    x2 = sp_ref[:] @ w1_ref[DENSE:DENSE + NS * D, :]
    x3 = avg @ w1_ref[DENSE + NS * D:, :]
    h = jnp.maximum(x1 + x2 + x3 + b1_ref[:], 0.0)
    h = jnp.maximum(h @ w2_ref[:] + b2_ref[:], 0.0)
    lg = h @ wo_ref[:]
    l0 = lg[:, 0:2]
    l1 = lg[:, 2:3]
    l0_ref[:] = l0
    l1_ref[:] = l1
    mx = jnp.max(l0, axis=-1, keepdims=True)
    e = jnp.exp(l0 - mx)
    p0_ref[:] = e / jnp.sum(e, axis=-1, keepdims=True)
    p1_ref[:] = l1


def _mlp_call(inputs, sp_rows, var_rows, sel, w1, b1, w2, b2, wo):
    grid = (B // TB,)
    full = lambda s: pl.BlockSpec(s, lambda i: (0, 0))
    return pl.pallas_call(
        _mlp_body,
        grid=grid,
        in_specs=[
            pl.BlockSpec((TB, DENSE + NS + L + 1), lambda i: (i, 0)),
            pl.BlockSpec((TB, NS * D), lambda i: (i, 0)),
            pl.BlockSpec((TB, L * D), lambda i: (i, 0)),
            full((L * D, D)),
            full((DENSE + NS * D + D, 2 * H1)),
            full((1, 2 * H1)),
            full((2 * H1, 2 * H2)),
            full((1, 2 * H2)),
            full((2 * H2, 3)),
        ],
        out_specs=[
            pl.BlockSpec((TB, 2), lambda i: (i, 0)),
            pl.BlockSpec((TB, 1), lambda i: (i, 0)),
            pl.BlockSpec((TB, 2), lambda i: (i, 0)),
            pl.BlockSpec((TB, 1), lambda i: (i, 0)),
        ],
        out_shape=[
            jax.ShapeDtypeStruct((B, 2), jnp.float32),
            jax.ShapeDtypeStruct((B, 1), jnp.float32),
            jax.ShapeDtypeStruct((B, 2), jnp.float32),
            jax.ShapeDtypeStruct((B, 1), jnp.float32),
        ],
    )(inputs, sp_rows, var_rows, sel, w1, b1, w2, b2, wo)


_SEL_NP = np.tile(np.eye(D, dtype=np.float32), (L, 1)) / L


def kernel(inputs, sparse_tables, var_table, W1_0, b1_0, W2_0, b2_0, Wo_0,
           W1_1, b1_1, W2_1, b2_1, Wo_1):
    ids = inputs[:, DENSE:].astype(jnp.int32)
    sp_tab = sparse_tables.transpose(0, 2, 1).reshape(NS * D * VOCAB)

    var_rows = _build_sc_var()(ids, var_table)
    sp_rows = _build_sc_sp()(ids, sp_tab)
    sp_rows = sp_rows.reshape(B, NS * D)
    var_rows = var_rows.reshape(B, L * D)

    w1 = jnp.concatenate([W1_0, W1_1], axis=1)
    b1 = jnp.concatenate([b1_0, b1_1])[None, :]
    z12 = jnp.zeros((H1, H2), jnp.float32)
    w2 = jnp.concatenate([
        jnp.concatenate([W2_0, z12], axis=1),
        jnp.concatenate([z12, W2_1], axis=1),
    ], axis=0)
    b2 = jnp.concatenate([b2_0, b2_1])[None, :]
    zo0 = jnp.zeros((H2, 1), jnp.float32)
    zo1 = jnp.zeros((H2, 2), jnp.float32)
    wo = jnp.concatenate([
        jnp.concatenate([Wo_0, zo0], axis=1),
        jnp.concatenate([zo1, Wo_1], axis=1),
    ], axis=0)

    pred0, pred1, logit0, logit1 = _mlp_call(
        inputs, sp_rows, var_rows, jnp.asarray(_SEL_NP), w1, b1, w2, b2, wo)
    return (pred0, pred1, logit0, logit1)

# --- scband reference (transcript-rebuilt; emitter-appended) ---
"""Pipeline reference for scband-mtlshare-bottom-model-52132313039239 (READ-ONLY COPY).

The authoritative reference and input builder live on the scoring server;
editing this copy changes nothing except your own understanding.
"""

import jax, jax.numpy as jnp
import numpy as np

B = 4096
DENSE = 13
NS = 26
L = 50
VOCAB = 100000
D = 16
H1, H2 = 64, 32
FIN = DENSE + NS * D + D


def setup_inputs(seed: int = 0) -> dict:
    key = jax.random.key(seed)
    ks = jax.random.split(key, 10)
    inputs = jax.random.randint(ks[0], (B, DENSE + NS + L + 1), 0, VOCAB).astype(jnp.float32)
    sparse_tables = jax.random.normal(ks[1], (NS, VOCAB, D), dtype=jnp.float32) * 0.05
    var_table = jax.random.normal(ks[2], (VOCAB, D), dtype=jnp.float32) * 0.05
    W1_0 = jax.random.normal(ks[3], (FIN, H1), dtype=jnp.float32) * (1.0 / np.sqrt(FIN))
    b1_0 = jnp.zeros((H1,), dtype=jnp.float32)
    W2_0 = jax.random.normal(ks[4], (H1, H2), dtype=jnp.float32) * (1.0 / np.sqrt(H1))
    b2_0 = jnp.zeros((H2,), dtype=jnp.float32)
    Wo_0 = jax.random.normal(ks[5], (H2, 2), dtype=jnp.float32) * (1.0 / np.sqrt(H2))
    W1_1 = jax.random.normal(ks[6], (FIN, H1), dtype=jnp.float32) * (1.0 / np.sqrt(FIN))
    b1_1 = jnp.zeros((H1,), dtype=jnp.float32)
    W2_1 = jax.random.normal(ks[7], (H1, H2), dtype=jnp.float32) * (1.0 / np.sqrt(H1))
    b2_1 = jnp.zeros((H2,), dtype=jnp.float32)
    Wo_1 = jax.random.normal(ks[8], (H2, 1), dtype=jnp.float32) * (1.0 / np.sqrt(H2))
    return {"inputs": inputs, "sparse_tables": sparse_tables, "var_table": var_table,
            "W1_0": W1_0, "b1_0": b1_0, "W2_0": W2_0, "b2_0": b2_0, "Wo_0": Wo_0,
            "W1_1": W1_1, "b1_1": b1_1, "W2_1": W2_1, "b2_1": b2_1, "Wo_1": Wo_1}


def reference(inputs, sparse_tables, var_table, W1_0, b1_0, W2_0, b2_0, Wo_0, W1_1, b1_1, W2_1, b2_1, Wo_1):
    dense_feas = inputs[:, 0:DENSE]
    sparse_ids = inputs[:, DENSE:DENSE + NS].astype(jnp.int32)
    var_ids = inputs[:, DENSE + NS:DENSE + NS + L].astype(jnp.int32)
    lengths = inputs[:, DENSE + NS + L].astype(jnp.int32)
    # per-field embedding lookup (gather) and concat, matching EmbeddingLayer
    emb_list = [jnp.take(sparse_tables[i], sparse_ids[:, i], axis=0) for i in range(NS)]
    sparse_concat = jnp.concatenate(emb_list, axis=1)  # [B, NS*D]
    # var-len embedding lookup + sequence mask + mean pool over full length (as tf.reduce_mean)
    var_emb = jnp.take(var_table, var_ids, axis=0)  # [B, L, D]
    mask = jnp.arange(L)[None, :] < lengths[:, None]  # tf.sequence_mask semantics
    masked = jnp.where(mask[:, :, None], var_emb, jnp.zeros_like(var_emb))
    avg_var = jnp.mean(masked, axis=1)  # [B, D]
    x = jnp.concatenate([dense_feas, sparse_concat, avg_var], axis=1)  # [B, FIN]

    def tower(x, W1, b1, W2, b2, Wo):
        h = jax.nn.relu(x @ W1 + b1)
        h = jax.nn.relu(h @ W2 + b2)
        return h @ Wo

    logit0 = tower(x, W1_0, b1_0, W2_0, b2_0, Wo_0)  # [B, 2]
    logit1 = tower(x, W1_1, b1_1, W2_1, b2_1, Wo_1)  # [B, 1]
    pred0 = jax.nn.softmax(logit0, axis=-1)
    pred1 = logit1
    return (pred0, pred1, logit0, logit1)

if __name__ == "__main__":
    import jax
    _d = setup_inputs()
    print(jax.jit(kernel)(*tuple(_d.values())))

</pallas_src>

<mosaic_0001>
#map = affine_map<(d0, d1) -> (0, 0)>
module attributes {stable_mosaic.version = 14 : i64} {
  func.func @_sc_var_body(%arg0: i32, %arg1: i32, %arg2: memref<4096x77xi32, #tpu.memory_space<hbm>>, %arg3: memref<100000x16xf32, #tpu.memory_space<hbm>>, %arg4: memref<204800x16xf32, #tpu.memory_space<hbm>>, %arg5: memref<128x77xi32, #tpu.memory_space<vmem>>, %arg6: memref<6400xi32, #tpu.memory_space<vmem>>, %arg7: memref<6400x16xf32, #tpu.memory_space<vmem>>, %arg8: memref<!tpu.dma_semaphore, #tpu.memory_space<semaphore_mem>>) attributes {dimension_semantics = [#tpu.dimension_semantics<core_parallel>, #tpu.dimension_semantics<subcore_parallel>], iteration_bounds = array<i64: 2, 16>, scalar_prefetch = 0 : i64, scratch_operands = 4 : i64, tpu.core_type = #tpu.core_type<sc_vector_subcore>, window_params = [{transform_indices = #map}, {transform_indices = #map}, {transform_indices = #map}]} {
    %mul3A = arith.constant 2 : i32
    %mul3A_0 = arith.muli %arg1, %mul3A : i32
    %add3A = arith.addi %mul3A_0, %arg0 : i32
    %mul3A_1 = arith.constant 128 : i32
    %mul3A_2 = arith.muli %add3A, %mul3A_1 : i32
    "tpu.region"() ({
      %run_scoped3A = tpu.sem_alloc : memref<!tpu.dma_semaphore, #tpu.memory_space<semaphore_mem>>
      %dma_start3A_15 = arith.constant 0 : i32
      %dma_start3A_16 = tpu.memref_slice %arg2[%mul3A_2, %dma_start3A_15] : memref<4096x77xi32, #tpu.memory_space<hbm>> -> memref<128x77xi32, #tpu.memory_space<hbm>>
      %dma_start3A_17 = arith.constant 0 : i32
      %dma_start3A_18 = tpu.memref_slice %arg2[%mul3A_2, %dma_start3A_17] : memref<4096x77xi32, #tpu.memory_space<hbm>> -> memref<128x77xi32, #tpu.memory_space<hbm>>
      tpu.enqueue_dma source(%dma_start3A_18 : memref<128x77xi32, #tpu.memory_space<hbm>>) target(%arg5 : memref<128x77xi32, #tpu.memory_space<vmem>>) target_semaphore(%run_scoped3A : memref<!tpu.dma_semaphore, #tpu.memory_space<semaphore_mem>>)
      %dma_wait3A_19 = arith.constant 0 : i32
      %dma_wait3A_20 = tpu.memref_slice %arg2[%mul3A_2, %dma_wait3A_19] : memref<4096x77xi32, #tpu.memory_space<hbm>> -> memref<128x77xi32, #tpu.memory_space<hbm>>
      %dma_wait3A_21 = arith.constant 0 : i32
      %dma_wait3A_22 = tpu.memref_slice %arg2[%mul3A_2, %dma_wait3A_21] : memref<4096x77xi32, #tpu.memory_space<hbm>> -> memref<128x77xi32, #tpu.memory_space<hbm>>
      tpu.wait_dma2 semaphore(%run_scoped3A : memref<!tpu.dma_semaphore, #tpu.memory_space<semaphore_mem>>) src(%dma_wait3A_22 : memref<128x77xi32, #tpu.memory_space<hbm>>) dst(%arg5 : memref<128x77xi32, #tpu.memory_space<vmem>>)
      tpu.yield
    }) : () -> ()
    %iota3A = tpu.iota {dimensions = array<i32: 0>} : vector<16xi32>
    %broadcast_in_dim3A = arith.constant 0 : i32
    %broadcast_in_dim3A_3 = vector.broadcast %broadcast_in_dim3A : i32 to vector<16xi32>
    %scan3A = arith.constant 0 : i32
    %scan3A_4 = arith.constant 400 : i32
    %scan3A_5 = arith.addi %scan3A, %scan3A_4 : i32
    %scan3A_6 = arith.constant 1 : i32
    %scan3A_7:2 = scf.for %scan3A_15 = %scan3A to %scan3A_5 step %scan3A_6 iter_args(%scan3A_16 = %broadcast_in_dim3A_3, %scan3A_17 = %iota3A) -> (vector<16xi32>, vector<16xi32>)  : i32 {
      %add3A_18 = arith.constant 26 : i32
      %add3A_19 = vector.broadcast %add3A_18 : i32 to vector<16xi32>
      %add3A_20 = arith.addi %scan3A_17, %add3A_19 : vector<16xi32>
      %gather3A = tpu.vector_load_idx %arg5[%scan3A_16, %add3A_20] : memref<128x77xi32, #tpu.memory_space<vmem>>[vector<16xi32>, vector<16xi32>], vector<16xi32>,
      %mul3A_21 = arith.constant 16 : i32
      %mul3A_22 = arith.muli %scan3A_15, %mul3A_21 : i32
      %swap3A = arith.index_cast %mul3A_22 : i32 to index
      %swap3A_23 = tpu.vector_load %arg6[%swap3A] {strides = array<i32>} : memref<6400xi32, #tpu.memory_space<vmem>>, vector<16xi32>,
      tpu.vector_store %arg6[%swap3A], %gather3A {strides = array<i32>} : memref<6400xi32, #tpu.memory_space<vmem>>, vector<16xi32>,
      %add3A_24 = arith.constant 16 : i32
      %add3A_25 = vector.broadcast %add3A_24 : i32 to vector<16xi32>
      %add3A_26 = arith.addi %scan3A_17, %add3A_25 : vector<16xi32>
      %ge3A = arith.constant 50 : i32
      %ge3A_27 = vector.broadcast %ge3A : i32 to vector<16xi32>
      %ge3A_28 = arith.cmpi sge, %add3A_26, %ge3A_27 : vector<16xi32>
      %sub3A = arith.constant 50 : i32
      %sub3A_29 = vector.broadcast %sub3A : i32 to vector<16xi32>
      %sub3A_30 = arith.subi %add3A_26, %sub3A_29 : vector<16xi32>
      %select_n3A = arith.select %ge3A_28, %sub3A_30, %add3A_26 : vector<16xi1>, vector<16xi32>
      %convert_element_type3A = arith.extui %ge3A_28 : vector<16xi1> to vector<16xi32>
      %add3A_31 = arith.addi %scan3A_16, %convert_element_type3A : vector<16xi32>
      scf.yield %add3A_31, %select_n3A : vector<16xi32>, vector<16xi32>
    }
    %scan3A_8 = arith.constant 400 : i32
    %dma_start3A = arith.constant 0 : i32
    %dma_start3A_9 = arith.constant 0 : i32
    %dma_start3A_10 = tpu.memref_slice %arg3[%dma_start3A, %dma_start3A_9] : memref<100000x16xf32, #tpu.memory_space<hbm>> -> memref<100000x16xf32, #tpu.memory_space<hbm>>
    tpu.enqueue_indirect_dma source(%dma_start3A_10 : memref<100000x16xf32, #tpu.memory_space<hbm>>) target(%arg7 : memref<6400x16xf32, #tpu.memory_space<vmem>>) offsets(%arg6 : memref<6400xi32, #tpu.memory_space<vmem>>) semaphore(%arg8 : memref<!tpu.dma_semaphore, #tpu.memory_space<semaphore_mem>>)
    %dma_wait3A = arith.constant 0 : i32
    %dma_wait3A_11 = arith.constant 0 : i32
    %dma_wait3A_12 = tpu.memref_slice %arg3[%dma_wait3A, %dma_wait3A_11] : memref<100000x16xf32, #tpu.memory_space<hbm>> -> memref<100000x16xf32, #tpu.memory_space<hbm>>
    tpu.wait_indirect_dma semaphore(%arg8 : memref<!tpu.dma_semaphore, #tpu.memory_space<semaphore_mem>>) src(%dma_wait3A_12 : memref<100000x16xf32, #tpu.memory_space<hbm>>) dst(%arg7 : memref<6400x16xf32, #tpu.memory_space<vmem>>)
    %mul3A_13 = arith.constant 50 : i32
    %mul3A_14 = arith.muli %mul3A_2, %mul3A_13 : i32
    "tpu.region"() ({
      %run_scoped3A = tpu.sem_alloc : memref<!tpu.dma_semaphore, #tpu.memory_space<semaphore_mem>>
      %dma_start3A_15 = arith.constant 0 : i32
      %dma_start3A_16 = tpu.memref_slice %arg4[%mul3A_14, %dma_start3A_15] : memref<204800x16xf32, #tpu.memory_space<hbm>> -> memref<6400x16xf32, #tpu.memory_space<hbm>>
      %dma_start3A_17 = arith.constant 0 : i32
      %dma_start3A_18 = tpu.memref_slice %arg4[%mul3A_14, %dma_start3A_17] : memref<204800x16xf32, #tpu.memory_space<hbm>> -> memref<6400x16xf32, #tpu.memory_space<hbm>>
      tpu.enqueue_dma source(%arg7 : memref<6400x16xf32, #tpu.memory_space<vmem>>) target(%dma_start3A_18 : memref<6400x16xf32, #tpu.memory_space<hbm>>) target_semaphore(%run_scoped3A : memref<!tpu.dma_semaphore, #tpu.memory_space<semaphore_mem>>)
      %dma_wait3A_19 = arith.constant 0 : i32
      %dma_wait3A_20 = tpu.memref_slice %arg4[%mul3A_14, %dma_wait3A_19] : memref<204800x16xf32, #tpu.memory_space<hbm>> -> memref<6400x16xf32, #tpu.memory_space<hbm>>
      %dma_wait3A_21 = arith.constant 0 : i32
      %dma_wait3A_22 = tpu.memref_slice %arg4[%mul3A_14, %dma_wait3A_21] : memref<204800x16xf32, #tpu.memory_space<hbm>> -> memref<6400x16xf32, #tpu.memory_space<hbm>>
      tpu.wait_dma2 semaphore(%run_scoped3A : memref<!tpu.dma_semaphore, #tpu.memory_space<semaphore_mem>>) src(%arg7 : memref<6400x16xf32, #tpu.memory_space<vmem>>) dst(%dma_wait3A_22 : memref<6400x16xf32, #tpu.memory_space<hbm>>)
      tpu.yield
    }) : () -> ()
    return
  }
}

#map = affine_map<(d0, d1) -> (0, 0)>
#map1 = affine_map<(d0, d1) -> (0)>
module attributes {stable_mosaic.version = 14 : i64} {
  func.func @_sc_sp_body(%arg0: i32, %arg1: i32, %arg2: memref<4096x77xi32, #tpu.memory_space<hbm>>, %arg3: memref<41600000xf32, #tpu.memory_space<hbm>>, %arg4: memref<1703936xf32, #tpu.memory_space<hbm>>, %arg5: memref<128x77xi32, #tpu.memory_space<vmem>>, %arg6: memref<53248xi32, #tpu.memory_space<vmem>>, %arg7: memref<53248xf32, #tpu.memory_space<vmem>>, %arg8: memref<!tpu.dma_semaphore, #tpu.memory_space<semaphore_mem>>, %arg9: memref<!tpu.dma_semaphore, #tpu.memory_space<semaphore_mem>>) attributes {dimension_semantics = [#tpu.dimension_semantics<core_parallel>, #tpu.dimension_semantics<subcore_parallel>], iteration_bounds = array<i64: 2, 16>, scalar_prefetch = 0 : i64, scratch_operands = 5 : i64, tpu.core_type = #tpu.core_type<sc_vector_subcore>, window_params = [{transform_indices = #map}, {transform_indices = #map1}, {transform_indices = #map1}]} {
    %mul3A = arith.constant 2 : i32
    %mul3A_0 = arith.muli %arg1, %mul3A : i32
    %add3A = arith.addi %mul3A_0, %arg0 : i32
    %mul3A_1 = arith.constant 128 : i32
    %mul3A_2 = arith.muli %add3A, %mul3A_1 : i32
    %iota3A = tpu.iota {dimensions = array<i32: 0>} : vector<16xi32>
    %mul3A_3 = arith.constant 100000 : i32
    %mul3A_4 = vector.broadcast %mul3A_3 : i32 to vector<16xi32>
    %mul3A_5 = arith.muli %iota3A, %mul3A_4 : vector<16xi32>
    "tpu.region"() ({
      %run_scoped3A = tpu.sem_alloc : memref<!tpu.dma_semaphore, #tpu.memory_space<semaphore_mem>>
      %dma_start3A_49 = arith.constant 0 : i32
      %dma_start3A_50 = tpu.memref_slice %arg2[%mul3A_2, %dma_start3A_49] : memref<4096x77xi32, #tpu.memory_space<hbm>> -> memref<128x77xi32, #tpu.memory_space<hbm>>
      %dma_start3A_51 = arith.constant 0 : i32
      %dma_start3A_52 = tpu.memref_slice %arg2[%mul3A_2, %dma_start3A_51] : memref<4096x77xi32, #tpu.memory_space<hbm>> -> memref<128x77xi32, #tpu.memory_space<hbm>>
      tpu.enqueue_dma source(%dma_start3A_52 : memref<128x77xi32, #tpu.memory_space<hbm>>) target(%arg5 : memref<128x77xi32, #tpu.memory_space<vmem>>) target_semaphore(%run_scoped3A : memref<!tpu.dma_semaphore, #tpu.memory_space<semaphore_mem>>)
      %dma_wait3A_53 = arith.constant 0 : i32
      %dma_wait3A_54 = tpu.memref_slice %arg2[%mul3A_2, %dma_wait3A_53] : memref<4096x77xi32, #tpu.memory_space<hbm>> -> memref<128x77xi32, #tpu.memory_space<hbm>>
      %dma_wait3A_55 = arith.constant 0 : i32
      %dma_wait3A_56 = tpu.memref_slice %arg2[%mul3A_2, %dma_wait3A_55] : memref<4096x77xi32, #tpu.memory_space<hbm>> -> memref<128x77xi32, #tpu.memory_space<hbm>>
      tpu.wait_dma2 semaphore(%run_scoped3A : memref<!tpu.dma_semaphore, #tpu.memory_space<semaphore_mem>>) src(%dma_wait3A_56 : memref<128x77xi32, #tpu.memory_space<hbm>>) dst(%arg5 : memref<128x77xi32, #tpu.memory_space<vmem>>)
      tpu.yield
    }) : () -> ()
    %scan3A = arith.constant 0 : i32
    %scan3A_6 = arith.constant 0 : i32
    %scan3A_7 = arith.constant 64 : i32
    %scan3A_8 = arith.addi %scan3A_6, %scan3A_7 : i32
    %scan3A_9 = arith.constant 1 : i32
    scf.for %scan3A_49 = %scan3A_6 to %scan3A_8 step %scan3A_9  : i32 {
      %mul3A_50 = arith.constant 416 : i32
      %mul3A_51 = arith.muli %scan3A_49, %mul3A_50 : i32
      %broadcast_in_dim3A = vector.broadcast %scan3A_49 : i32 to vector<16xi32>
      %broadcast_in_dim3A_52 = arith.constant 0 : i32
      %broadcast_in_dim3A_53 = vector.broadcast %broadcast_in_dim3A_52 : i32 to vector<16xi32>
      %gather3A = tpu.vector_load_idx %arg5[%broadcast_in_dim3A, %broadcast_in_dim3A_53] : memref<128x77xi32, #tpu.memory_space<vmem>>[vector<16xi32>, vector<16xi32>], vector<16xi32>,
      %add3A_54 = arith.addi %mul3A_5, %gather3A : vector<16xi32>
      %add3A_55 = arith.constant 0 : i32
      %add3A_56 = vector.broadcast %add3A_55 : i32 to vector<16xi32>
      %add3A_57 = arith.addi %add3A_54, %add3A_56 : vector<16xi32>
      %add3A_58 = arith.constant 0 : i32
      %add3A_59 = arith.addi %mul3A_51, %add3A_58 : i32
      %swap3A = arith.index_cast %add3A_59 : i32 to index
      %swap3A_60 = tpu.vector_load %arg6[%swap3A] {strides = array<i32>} : memref<53248xi32, #tpu.memory_space<vmem>>, vector<16xi32>,
      tpu.vector_store %arg6[%swap3A], %add3A_57 {strides = array<i32>} : memref<53248xi32, #tpu.memory_space<vmem>>, vector<16xi32>,
      %broadcast_in_dim3A_61 = arith.constant 1 : i32
      %broadcast_in_dim3A_62 = vector.broadcast %broadcast_in_dim3A_61 : i32 to vector<16xi32>
      %gather3A_63 = tpu.vector_load_idx %arg5[%broadcast_in_dim3A, %broadcast_in_dim3A_62] : memref<128x77xi32, #tpu.memory_space<vmem>>[vector<16xi32>, vector<16xi32>], vector<16xi32>,
      %add3A_64 = arith.addi %mul3A_5, %gather3A_63 : vector<16xi32>
      %add3A_65 = arith.constant 1600000 : i32
      %add3A_66 = vector.broadcast %add3A_65 : i32 to vector<16xi32>
      %add3A_67 = arith.addi %add3A_64, %add3A_66 : vector<16xi32>
      %add3A_68 = arith.constant 16 : i32
      %add3A_69 = arith.addi %mul3A_51, %add3A_68 : i32
      %swap3A_70 = arith.index_cast %add3A_69 : i32 to index
      %swap3A_71 = tpu.vector_load %arg6[%swap3A_70] {strides = array<i32>} : memref<53248xi32, #tpu.memory_space<vmem>>, vector<16xi32>,
      tpu.vector_store %arg6[%swap3A_70], %add3A_67 {strides = array<i32>} : memref<53248xi32, #tpu.memory_space<vmem>>, vector<16xi32>,
      %broadcast_in_dim3A_72 = arith.constant 2 : i32
      %broadcast_in_dim3A_73 = vector.broadcast %broadcast_in_dim3A_72 : i32 to vector<16xi32>
      %gather3A_74 = tpu.vector_load_idx %arg5[%broadcast_in_dim3A, %broadcast_in_dim3A_73] : memref<128x77xi32, #tpu.memory_space<vmem>>[vector<16xi32>, vector<16xi32>], vector<16xi32>,
      %add3A_75 = arith.addi %mul3A_5, %gather3A_74 : vector<16xi32>
      %add3A_76 = arith.constant 3200000 : i32
      %add3A_77 = vector.broadcast %add3A_76 : i32 to vector<16xi32>
      %add3A_78 = arith.addi %add3A_75, %add3A_77 : vector<16xi32>
      %add3A_79 = arith.constant 32 : i32
      %add3A_80 = arith.addi %mul3A_51, %add3A_79 : i32
      %swap3A_81 = arith.index_cast %add3A_80 : i32 to index
      %swap3A_82 = tpu.vector_load %arg6[%swap3A_81] {strides = array<i32>} : memref<53248xi32, #tpu.memory_space<vmem>>, vector<16xi32>,
      tpu.vector_store %arg6[%swap3A_81], %add3A_78 {strides = array<i32>} : memref<53248xi32, #tpu.memory_space<vmem>>, vector<16xi32>,
      %broadcast_in_dim3A_83 = arith.constant 3 : i32
      %broadcast_in_dim3A_84 = vector.broadcast %broadcast_in_dim3A_83 : i32 to vector<16xi32>
      %gather3A_85 = tpu.vector_load_idx %arg5[%broadcast_in_dim3A, %broadcast_in_dim3A_84] : memref<128x77xi32, #tpu.memory_space<vmem>>[vector<16xi32>, vector<16xi32>], vector<16xi32>,
      %add3A_86 = arith.addi %mul3A_5, %gather3A_85 : vector<16xi32>
      %add3A_87 = arith.constant 4800000 : i32
      %add3A_88 = vector.broadcast %add3A_87 : i32 to vector<16xi32>
      %add3A_89 = arith.addi %add3A_86, %add3A_88 : vector<16xi32>
      %add3A_90 = arith.constant 48 : i32
      %add3A_91 = arith.addi %mul3A_51, %add3A_90 : i32
      %swap3A_92 = arith.index_cast %add3A_91 : i32 to index
      %swap3A_93 = tpu.vector_load %arg6[%swap3A_92] {strides = array<i32>} : memref<53248xi32, #tpu.memory_space<vmem>>, vector<16xi32>,
      tpu.vector_store %arg6[%swap3A_92], %add3A_89 {strides = array<i32>} : memref<53248xi32, #tpu.memory_space<vmem>>, vector<16xi32>,
      %broadcast_in_dim3A_94 = arith.constant 4 : i32
      %broadcast_in_dim3A_95 = vector.broadcast %broadcast_in_dim3A_94 : i32 to vector<16xi32>
      %gather3A_96 = tpu.vector_load_idx %arg5[%broadcast_in_dim3A, %broadcast_in_dim3A_95] : memref<128x77xi32, #tpu.memory_space<vmem>>[vector<16xi32>, vector<16xi32>], vector<16xi32>,
      %add3A_97 = arith.addi %mul3A_5, %gather3A_96 : vector<16xi32>
      %add3A_98 = arith.constant 6400000 : i32
      %add3A_99 = vector.broadcast %add3A_98 : i32 to vector<16xi32>
      %add3A_100 = arith.addi %add3A_97, %add3A_99 : vector<16xi32>
      %add3A_101 = arith.constant 64 : i32
      %add3A_102 = arith.addi %mul3A_51, %add3A_101 : i32
      %swap3A_103 = arith.index_cast %add3A_102 : i32 to index
      %swap3A_104 = tpu.vector_load %arg6[%swap3A_103] {strides = array<i32>} : memref<53248xi32, #tpu.memory_space<vmem>>, vector<16xi32>,
      tpu.vector_store %arg6[%swap3A_103], %add3A_100 {strides = array<i32>} : memref<53248xi32, #tpu.memory_space<vmem>>, vector<16xi32>,
      %broadcast_in_dim3A_105 = arith.constant 5 : i32
      %broadcast_in_dim3A_106 = vector.broadcast %broadcast_in_dim3A_105 : i32 to vector<16xi32>
      %gather3A_107 = tpu.vector_load_idx %arg5[%broadcast_in_dim3A, %broadcast_in_dim3A_106] : memref<128x77xi32, #tpu.memory_space<vmem>>[vector<16xi32>, vector<16xi32>], vector<16xi32>,
      %add3A_108 = arith.addi %mul3A_5, %gather3A_107 : vector<16xi32>
      %add3A_109 = arith.constant 8000000 : i32
      %add3A_110 = vector.broadcast %add3A_109 : i32 to vector<16xi32>
      %add3A_111 = arith.addi %add3A_108, %add3A_110 : vector<16xi32>
      %add3A_112 = arith.constant 80 : i32
      %add3A_113 = arith.addi %mul3A_51, %add3A_112 : i32
      %swap3A_114 = arith.index_cast %add3A_113 : i32 to index
      %swap3A_115 = tpu.vector_load %arg6[%swap3A_114] {strides = array<i32>} : memref<53248xi32, #tpu.memory_space<vmem>>, vector<16xi32>,
      tpu.vector_store %arg6[%swap3A_114], %add3A_111 {strides = array<i32>} : memref<53248xi32, #tpu.memory_space<vmem>>, vector<16xi32>,
      %broadcast_in_dim3A_116 = arith.constant 6 : i32
      %broadcast_in_dim3A_117 = vector.broadcast %broadcast_in_dim3A_116 : i32 to vector<16xi32>
      %gather3A_118 = tpu.vector_load_idx %arg5[%broadcast_in_dim3A, %broadcast_in_dim3A_117] : memref<128x77xi32, #tpu.memory_space<vmem>>[vector<16xi32>, vector<16xi32>], vector<16xi32>,
      %add3A_119 = arith.addi %mul3A_5, %gather3A_118 : vector<16xi32>
      %add3A_120 = arith.constant 9600000 : i32
      %add3A_121 = vector.broadcast %add3A_120 : i32 to vector<16xi32>
      %add3A_122 = arith.addi %add3A_119, %add3A_121 : vector<16xi32>
      %add3A_123 = arith.constant 96 : i32
      %add3A_124 = arith.addi %mul3A_51, %add3A_123 : i32
      %swap3A_125 = arith.index_cast %add3A_124 : i32 to index
      %swap3A_126 = tpu.vector_load %arg6[%swap3A_125] {strides = array<i32>} : memref<53248xi32, #tpu.memory_space<vmem>>, vector<16xi32>,
      tpu.vector_store %arg6[%swap3A_125], %add3A_122 {strides = array<i32>} : memref<53248xi32, #tpu.memory_space<vmem>>, vector<16xi32>,
      %broadcast_in_dim3A_127 = arith.constant 7 : i32
      %broadcast_in_dim3A_128 = vector.broadcast %broadcast_in_dim3A_127 : i32 to vector<16xi32>
      %gather3A_129 = tpu.vector_load_idx %arg5[%broadcast_in_dim3A, %broadcast_in_dim3A_128] : memref<128x77xi32, #tpu.memory_space<vmem>>[vector<16xi32>, vector<16xi32>], vector<16xi32>,
      %add3A_130 = arith.addi %mul3A_5, %gather3A_129 : vector<16xi32>
      %add3A_131 = arith.constant 11200000 : i32
      %add3A_132 = vector.broadcast %add3A_131 : i32 to vector<16xi32>
      %add3A_133 = arith.addi %add3A_130, %add3A_132 : vector<16xi32>
      %add3A_134 = arith.constant 112 : i32
      %add3A_135 = arith.addi %mul3A_51, %add3A_134 : i32
      %swap3A_136 = arith.index_cast %add3A_135 : i32 to index
      %swap3A_137 = tpu.vector_load %arg6[%swap3A_136] {strides = array<i32>} : memref<53248xi32, #tpu.memory_space<vmem>>, vector<16xi32>,
      tpu.vector_store %arg6[%swap3A_136], %add3A_133 {strides = array<i32>} : memref<53248xi32, #tpu.memory_space<vmem>>, vector<16xi32>,
      %broadcast_in_dim3A_138 = arith.constant 8 : i32
      %broadcast_in_dim3A_139 = vector.broadcast %broadcast_in_dim3A_138 : i32 to vector<16xi32>
      %gather3A_140 = tpu.vector_load_idx %arg5[%broadcast_in_dim3A, %broadcast_in_dim3A_139] : memref<128x77xi32, #tpu.memory_space<vmem>>[vector<16xi32>, vector<16xi32>], vector<16xi32>,
      %add3A_141 = arith.addi %mul3A_5, %gather3A_140 : vector<16xi32>
      %add3A_142 = arith.constant 12800000 : i32
      %add3A_143 = vector.broadcast %add3A_142 : i32 to vector<16xi32>
      %add3A_144 = arith.addi %add3A_141, %add3A_143 : vector<16xi32>
      %add3A_145 = arith.constant 128 : i32
      %add3A_146 = arith.addi %mul3A_51, %add3A_145 : i32
      %swap3A_147 = arith.index_cast %add3A_146 : i32 to index
      %swap3A_148 = tpu.vector_load %arg6[%swap3A_147] {strides = array<i32>} : memref<53248xi32, #tpu.memory_space<vmem>>, vector<16xi32>,
      tpu.vector_store %arg6[%swap3A_147], %add3A_144 {strides = array<i32>} : memref<53248xi32, #tpu.memory_space<vmem>>, vector<16xi32>,
      %broadcast_in_dim3A_149 = arith.constant 9 : i32
      %broadcast_in_dim3A_150 = vector.broadcast %broadcast_in_dim3A_149 : i32 to vector<16xi32>
      %gather3A_151 = tpu.vector_load_idx %arg5[%broadcast_in_dim3A, %broadcast_in_dim3A_150] : memref<128x77xi32, #tpu.memory_space<vmem>>[vector<16xi32>, vector<16xi32>], vector<16xi32>,
      %add3A_152 = arith.addi %mul3A_5, %gather3A_151 : vector<16xi32>
      %add3A_153 = arith.constant 14400000 : i32
      %add3A_154 = vector.broadcast %add3A_153 : i32 to vector<16xi32>
      %add3A_155 = arith.addi %add3A_152, %add3A_154 : vector<16xi32>
      %add3A_156 = arith.constant 144 : i32
      %add3A_157 = arith.addi %mul3A_51, %add3A_156 : i32
      %swap3A_158 = arith.index_cast %add3A_157 : i32 to index
      %swap3A_159 = tpu.vector_load %arg6[%swap3A_158] {strides = array<i32>} : memref<53248xi32, #tpu.memory_space<vmem>>, vector<16xi32>,
      tpu.vector_store %arg6[%swap3A_158], %add3A_155 {strides = array<i32>} : memref<53248xi32, #tpu.memory_space<vmem>>, vector<16xi32>,
      %broadcast_in_dim3A_160 = arith.constant 10 : i32
      %broadcast_in_dim3A_161 = vector.broadcast %broadcast_in_dim3A_160 : i32 to vector<16xi32>
      %gather3A_162 = tpu.vector_load_idx %arg5[%broadcast_in_dim3A, %broadcast_in_dim3A_161] : memref<128x77xi32, #tpu.memory_space<vmem>>[vector<16xi32>, vector<16xi32>], vector<16xi32>,
      %add3A_163 = arith.addi %mul3A_5, %gather3A_162 : vector<16xi32>
      %add3A_164 = arith.constant 16000000 : i32
      %add3A_165 = vector.broadcast %add3A_164 : i32 to vector<16xi32>
      %add3A_166 = arith.addi %add3A_163, %add3A_165 : vector<16xi32>
      %add3A_167 = arith.constant 160 : i32
      %add3A_168 = arith.addi %mul3A_51, %add3A_167 : i32
      %swap3A_169 = arith.index_cast %add3A_168 : i32 to index
      %swap3A_170 = tpu.vector_load %arg6[%swap3A_169] {strides = array<i32>} : memref<53248xi32, #tpu.memory_space<vmem>>, vector<16xi32>,
      tpu.vector_store %arg6[%swap3A_169], %add3A_166 {strides = array<i32>} : memref<53248xi32, #tpu.memory_space<vmem>>, vector<16xi32>,
      %broadcast_in_dim3A_171 = arith.constant 11 : i32
      %broadcast_in_dim3A_172 = vector.broadcast %broadcast_in_dim3A_171 : i32 to vector<16xi32>
      %gather3A_173 = tpu.vector_load_idx %arg5[%broadcast_in_dim3A, %broadcast_in_dim3A_172] : memref<128x77xi32, #tpu.memory_space<vmem>>[vector<16xi32>, vector<16xi32>], vector<16xi32>,
      %add3A_174 = arith.addi %mul3A_5, %gather3A_173 : vector<16xi32>
      %add3A_175 = arith.constant 17600000 : i32
      %add3A_176 = vector.broadcast %add3A_175 : i32 to vector<16xi32>
      %add3A_177 = arith.addi %add3A_174, %add3A_176 : vector<16xi32>
      %add3A_178 = arith.constant 176 : i32
      %add3A_179 = arith.addi %mul3A_51, %add3A_178 : i32
      %swap3A_180 = arith.index_cast %add3A_179 : i32 to index
      %swap3A_181 = tpu.vector_load %arg6[%swap3A_180] {strides = array<i32>} : memref<53248xi32, #tpu.memory_space<vmem>>, vector<16xi32>,
      tpu.vector_store %arg6[%swap3A_180], %add3A_177 {strides = array<i32>} : memref<53248xi32, #tpu.memory_space<vmem>>, vector<16xi32>,
      %broadcast_in_dim3A_182 = arith.constant 12 : i32
      %broadcast_in_dim3A_183 = vector.broadcast %broadcast_in_dim3A_182 : i32 to vector<16xi32>
      %gather3A_184 = tpu.vector_load_idx %arg5[%broadcast_in_dim3A, %broadcast_in_dim3A_183] : memref<128x77xi32, #tpu.memory_space<vmem>>[vector<16xi32>, vector<16xi32>], vector<16xi32>,
      %add3A_185 = arith.addi %mul3A_5, %gather3A_184 : vector<16xi32>
      %add3A_186 = arith.constant 19200000 : i32
      %add3A_187 = vector.broadcast %add3A_186 : i32 to vector<16xi32>
      %add3A_188 = arith.addi %add3A_185, %add3A_187 : vector<16xi32>
      %add3A_189 = arith.constant 192 : i32
      %add3A_190 = arith.addi %mul3A_51, %add3A_189 : i32
      %swap3A_191 = arith.index_cast %add3A_190 : i32 to index
      %swap3A_192 = tpu.vector_load %arg6[%swap3A_191] {strides = array<i32>} : memref<53248xi32, #tpu.memory_space<vmem>>, vector<16xi32>,
      tpu.vector_store %arg6[%swap3A_191], %add3A_188 {strides = array<i32>} : memref<53248xi32, #tpu.memory_space<vmem>>, vector<16xi32>,
      %broadcast_in_dim3A_193 = arith.constant 13 : i32
      %broadcast_in_dim3A_194 = vector.broadcast %broadcast_in_dim3A_193 : i32 to vector<16xi32>
      %gather3A_195 = tpu.vector_load_idx %arg5[%broadcast_in_dim3A, %broadcast_in_dim3A_194] : memref<128x77xi32, #tpu.memory_space<vmem>>[vector<16xi32>, vector<16xi32>], vector<16xi32>,
      %add3A_196 = arith.addi %mul3A_5, %gather3A_195 : vector<16xi32>
      %add3A_197 = arith.constant 20800000 : i32
      %add3A_198 = vector.broadcast %add3A_197 : i32 to vector<16xi32>
      %add3A_199 = arith.addi %add3A_196, %add3A_198 : vector<16xi32>
      %add3A_200 = arith.constant 208 : i32
      %add3A_201 = arith.addi %mul3A_51, %add3A_200 : i32
      %swap3A_202 = arith.index_cast %add3A_201 : i32 to index
      %swap3A_203 = tpu.vector_load %arg6[%swap3A_202] {strides = array<i32>} : memref<53248xi32, #tpu.memory_space<vmem>>, vector<16xi32>,
      tpu.vector_store %arg6[%swap3A_202], %add3A_199 {strides = array<i32>} : memref<53248xi32, #tpu.memory_space<vmem>>, vector<16xi32>,
      %broadcast_in_dim3A_204 = arith.constant 14 : i32
      %broadcast_in_dim3A_205 = vector.broadcast %broadcast_in_dim3A_204 : i32 to vector<16xi32>
      %gather3A_206 = tpu.vector_load_idx %arg5[%broadcast_in_dim3A, %broadcast_in_dim3A_205] : memref<128x77xi32, #tpu.memory_space<vmem>>[vector<16xi32>, vector<16xi32>], vector<16xi32>,
      %add3A_207 = arith.addi %mul3A_5, %gather3A_206 : vector<16xi32>
      %add3A_208 = arith.constant 22400000 : i32
      %add3A_209 = vector.broadcast %add3A_208 : i32 to vector<16xi32>
      %add3A_210 = arith.addi %add3A_207, %add3A_209 : vector<16xi32>
      %add3A_211 = arith.constant 224 : i32
      %add3A_212 = arith.addi %mul3A_51, %add3A_211 : i32
      %swap3A_213 = arith.index_cast %add3A_212 : i32 to index
      %swap3A_214 = tpu.vector_load %arg6[%swap3A_213] {strides = array<i32>} : memref<53248xi32, #tpu.memory_space<vmem>>, vector<16xi32>,
      tpu.vector_store %arg6[%swap3A_213], %add3A_210 {strides = array<i32>} : memref<53248xi32, #tpu.memory_space<vmem>>, vector<16xi32>,
      %broadcast_in_dim3A_215 = arith.constant 15 : i32
      %broadcast_in_dim3A_216 = vector.broadcast %broadcast_in_dim3A_215 : i32 to vector<16xi32>
      %gather3A_217 = tpu.vector_load_idx %arg5[%broadcast_in_dim3A, %broadcast_in_dim3A_216] : memref<128x77xi32, #tpu.memory_space<vmem>>[vector<16xi32>, vector<16xi32>], vector<16xi32>,
      %add3A_218 = arith.addi %mul3A_5, %gather3A_217 : vector<16xi32>
      %add3A_219 = arith.constant 24000000 : i32
      %add3A_220 = vector.broadcast %add3A_219 : i32 to vector<16xi32>
      %add3A_221 = arith.addi %add3A_218, %add3A_220 : vector<16xi32>
      %add3A_222 = arith.constant 240 : i32
      %add3A_223 = arith.addi %mul3A_51, %add3A_222 : i32
      %swap3A_224 = arith.index_cast %add3A_223 : i32 to index
      %swap3A_225 = tpu.vector_load %arg6[%swap3A_224] {strides = array<i32>} : memref<53248xi32, #tpu.memory_space<vmem>>, vector<16xi32>,
      tpu.vector_store %arg6[%swap3A_224], %add3A_221 {strides = array<i32>} : memref<53248xi32, #tpu.memory_space<vmem>>, vector<16xi32>,
      %broadcast_in_dim3A_226 = arith.constant 16 : i32
      %broadcast_in_dim3A_227 = vector.broadcast %broadcast_in_dim3A_226 : i32 to vector<16xi32>
      %gather3A_228 = tpu.vector_load_idx %arg5[%broadcast_in_dim3A, %broadcast_in_dim3A_227] : memref<128x77xi32, #tpu.memory_space<vmem>>[vector<16xi32>, vector<16xi32>], vector<16xi32>,
      %add3A_229 = arith.addi %mul3A_5, %gather3A_228 : vector<16xi32>
      %add3A_230 = arith.constant 25600000 : i32
      %add3A_231 = vector.broadcast %add3A_230 : i32 to vector<16xi32>
      %add3A_232 = arith.addi %add3A_229, %add3A_231 : vector<16xi32>
      %add3A_233 = arith.constant 256 : i32
      %add3A_234 = arith.addi %mul3A_51, %add3A_233 : i32
      %swap3A_235 = arith.index_cast %add3A_234 : i32 to index
      %swap3A_236 = tpu.vector_load %arg6[%swap3A_235] {strides = array<i32>} : memref<53248xi32, #tpu.memory_space<vmem>>, vector<16xi32>,
      tpu.vector_store %arg6[%swap3A_235], %add3A_232 {strides = array<i32>} : memref<53248xi32, #tpu.memory_space<vmem>>, vector<16xi32>,
      %broadcast_in_dim3A_237 = arith.constant 17 : i32
      %broadcast_in_dim3A_238 = vector.broadcast %broadcast_in_dim3A_237 : i32 to vector<16xi32>
      %gather3A_239 = tpu.vector_load_idx %arg5[%broadcast_in_dim3A, %broadcast_in_dim3A_238] : memref<128x77xi32, #tpu.memory_space<vmem>>[vector<16xi32>, vector<16xi32>], vector<16xi32>,
      %add3A_240 = arith.addi %mul3A_5, %gather3A_239 : vector<16xi32>
      %add3A_241 = arith.constant 27200000 : i32
      %add3A_242 = vector.broadcast %add3A_241 : i32 to vector<16xi32>
      %add3A_243 = arith.addi %add3A_240, %add3A_242 : vector<16xi32>
      %add3A_244 = arith.constant 272 : i32
      %add3A_245 = arith.addi %mul3A_51, %add3A_244 : i32
      %swap3A_246 = arith.index_cast %add3A_245 : i32 to index
      %swap3A_247 = tpu.vector_load %arg6[%swap3A_246] {strides = array<i32>} : memref<53248xi32, #tpu.memory_space<vmem>>, vector<16xi32>,
      tpu.vector_store %arg6[%swap3A_246], %add3A_243 {strides = array<i32>} : memref<53248xi32, #tpu.memory_space<vmem>>, vector<16xi32>,
      %broadcast_in_dim3A_248 = arith.constant 18 : i32
      %broadcast_in_dim3A_249 = vector.broadcast %broadcast_in_dim3A_248 : i32 to vector<16xi32>
      %gather3A_250 = tpu.vector_load_idx %arg5[%broadcast_in_dim3A, %broadcast_in_dim3A_249] : memref<128x77xi32, #tpu.memory_space<vmem>>[vector<16xi32>, vector<16xi32>], vector<16xi32>,
      %add3A_251 = arith.addi %mul3A_5, %gather3A_250 : vector<16xi32>
      %add3A_252 = arith.constant 28800000 : i32
      %add3A_253 = vector.broadcast %add3A_252 : i32 to vector<16xi32>
      %add3A_254 = arith.addi %add3A_251, %add3A_253 : vector<16xi32>
      %add3A_255 = arith.constant 288 : i32
      %add3A_256 = arith.addi %mul3A_51, %add3A_255 : i32
      %swap3A_257 = arith.index_cast %add3A_256 : i32 to index
      %swap3A_258 = tpu.vector_load %arg6[%swap3A_257] {strides = array<i32>} : memref<53248xi32, #tpu.memory_space<vmem>>, vector<16xi32>,
      tpu.vector_store %arg6[%swap3A_257], %add3A_254 {strides = array<i32>} : memref<53248xi32, #tpu.memory_space<vmem>>, vector<16xi32>,
      %broadcast_in_dim3A_259 = arith.constant 19 : i32
      %broadcast_in_dim3A_260 = vector.broadcast %broadcast_in_dim3A_259 : i32 to vector<16xi32>
      %gather3A_261 = tpu.vector_load_idx %arg5[%broadcast_in_dim3A, %broadcast_in_dim3A_260] : memref<128x77xi32, #tpu.memory_space<vmem>>[vector<16xi32>, vector<16xi32>], vector<16xi32>,
      %add3A_262 = arith.addi %mul3A_5, %gather3A_261 : vector<16xi32>
      %add3A_263 = arith.constant 30400000 : i32
      %add3A_264 = vector.broadcast %add3A_263 : i32 to vector<16xi32>
      %add3A_265 = arith.addi %add3A_262, %add3A_264 : vector<16xi32>
      %add3A_266 = arith.constant 304 : i32
      %add3A_267 = arith.addi %mul3A_51, %add3A_266 : i32
      %swap3A_268 = arith.index_cast %add3A_267 : i32 to index
      %swap3A_269 = tpu.vector_load %arg6[%swap3A_268] {strides = array<i32>} : memref<53248xi32, #tpu.memory_space<vmem>>, vector<16xi32>,
      tpu.vector_store %arg6[%swap3A_268], %add3A_265 {strides = array<i32>} : memref<53248xi32, #tpu.memory_space<vmem>>, vector<16xi32>,
      %broadcast_in_dim3A_270 = arith.constant 20 : i32
      %broadcast_in_dim3A_271 = vector.broadcast %broadcast_in_dim3A_270 : i32 to vector<16xi32>
      %gather3A_272 = tpu.vector_load_idx %arg5[%broadcast_in_dim3A, %broadcast_in_dim3A_271] : memref<128x77xi32, #tpu.memory_space<vmem>>[vector<16xi32>, vector<16xi32>], vector<16xi32>,
      %add3A_273 = arith.addi %mul3A_5, %gather3A_272 : vector<16xi32>
      %add3A_274 = arith.constant 32000000 : i32
      %add3A_275 = vector.broadcast %add3A_274 : i32 to vector<16xi32>
      %add3A_276 = arith.addi %add3A_273, %add3A_275 : vector<16xi32>
      %add3A_277 = arith.constant 320 : i32
      %add3A_278 = arith.addi %mul3A_51, %add3A_277 : i32
      %swap3A_279 = arith.index_cast %add3A_278 : i32 to index
      %swap3A_280 = tpu.vector_load %arg6[%swap3A_279] {strides = array<i32>} : memref<53248xi32, #tpu.memory_space<vmem>>, vector<16xi32>,
      tpu.vector_store %arg6[%swap3A_279], %add3A_276 {strides = array<i32>} : memref<53248xi32, #tpu.memory_space<vmem>>, vector<16xi32>,
      %broadcast_in_dim3A_281 = arith.constant 21 : i32
      %broadcast_in_dim3A_282 = vector.broadcast %broadcast_in_dim3A_281 : i32 to vector<16xi32>
      %gather3A_283 = tpu.vector_load_idx %arg5[%broadcast_in_dim3A, %broadcast_in_dim3A_282] : memref<128x77xi32, #tpu.memory_space<vmem>>[vector<16xi32>, vector<16xi32>], vector<16xi32>,
      %add3A_284 = arith.addi %mul3A_5, %gather3A_283 : vector<16xi32>
      %add3A_285 = arith.constant 33600000 : i32
      %add3A_286 = vector.broadcast %add3A_285 : i32 to vector<16xi32>
      %add3A_287 = arith.addi %add3A_284, %add3A_286 : vector<16xi32>
      %add3A_288 = arith.constant 336 : i32
      %add3A_289 = arith.addi %mul3A_51, %add3A_288 : i32
      %swap3A_290 = arith.index_cast %add3A_289 : i32 to index
      %swap3A_291 = tpu.vector_load %arg6[%swap3A_290] {strides = array<i32>} : memref<53248xi32, #tpu.memory_space<vmem>>, vector<16xi32>,
      tpu.vector_store %arg6[%swap3A_290], %add3A_287 {strides = array<i32>} : memref<53248xi32, #tpu.memory_space<vmem>>, vector<16xi32>,
      %broadcast_in_dim3A_292 = arith.constant 22 : i32
      %broadcast_in_dim3A_293 = vector.broadcast %broadcast_in_dim3A_292 : i32 to vector<16xi32>
      %gather3A_294 = tpu.vector_load_idx %arg5[%broadcast_in_dim3A, %broadcast_in_dim3A_293] : memref<128x77xi32, #tpu.memory_space<vmem>>[vector<16xi32>, vector<16xi32>], vector<16xi32>,
      %add3A_295 = arith.addi %mul3A_5, %gather3A_294 : vector<16xi32>
      %add3A_296 = arith.constant 35200000 : i32
      %add3A_297 = vector.broadcast %add3A_296 : i32 to vector<16xi32>
      %add3A_298 = arith.addi %add3A_295, %add3A_297 : vector<16xi32>
      %add3A_299 = arith.constant 352 : i32
      %add3A_300 = arith.addi %mul3A_51, %add3A_299 : i32
      %swap3A_301 = arith.index_cast %add3A_300 : i32 to index
      %swap3A_302 = tpu.vector_load %arg6[%swap3A_301] {strides = array<i32>} : memref<53248xi32, #tpu.memory_space<vmem>>, vector<16xi32>,
      tpu.vector_store %arg6[%swap3A_301], %add3A_298 {strides = array<i32>} : memref<53248xi32, #tpu.memory_space<vmem>>, vector<16xi32>,
      %broadcast_in_dim3A_303 = arith.constant 23 : i32
      %broadcast_in_dim3A_304 = vector.broadcast %broadcast_in_dim3A_303 : i32 to vector<16xi32>
      %gather3A_305 = tpu.vector_load_idx %arg5[%broadcast_in_dim3A, %broadcast_in_dim3A_304] : memref<128x77xi32, #tpu.memory_space<vmem>>[vector<16xi32>, vector<16xi32>], vector<16xi32>,
      %add3A_306 = arith.addi %mul3A_5, %gather3A_305 : vector<16xi32>
      %add3A_307 = arith.constant 36800000 : i32
      %add3A_308 = vector.broadcast %add3A_307 : i32 to vector<16xi32>
      %add3A_309 = arith.addi %add3A_306, %add3A_308 : vector<16xi32>
      %add3A_310 = arith.constant 368 : i32
      %add3A_311 = arith.addi %mul3A_51, %add3A_310 : i32
      %swap3A_312 = arith.index_cast %add3A_311 : i32 to index
      %swap3A_313 = tpu.vector_load %arg6[%swap3A_312] {strides = array<i32>} : memref<53248xi32, #tpu.memory_space<vmem>>, vector<16xi32>,
      tpu.vector_store %arg6[%swap3A_312], %add3A_309 {strides = array<i32>} : memref<53248xi32, #tpu.memory_space<vmem>>, vector<16xi32>,
      %broadcast_in_dim3A_314 = arith.constant 24 : i32
      %broadcast_in_dim3A_315 = vector.broadcast %broadcast_in_dim3A_314 : i32 to vector<16xi32>
      %gather3A_316 = tpu.vector_load_idx %arg5[%broadcast_in_dim3A, %broadcast_in_dim3A_315] : memref<128x77xi32, #tpu.memory_space<vmem>>[vector<16xi32>, vector<16xi32>], vector<16xi32>,
      %add3A_317 = arith.addi %mul3A_5, %gather3A_316 : vector<16xi32>
      %add3A_318 = arith.constant 38400000 : i32
      %add3A_319 = vector.broadcast %add3A_318 : i32 to vector<16xi32>
      %add3A_320 = arith.addi %add3A_317, %add3A_319 : vector<16xi32>
      %add3A_321 = arith.constant 384 : i32
      %add3A_322 = arith.addi %mul3A_51, %add3A_321 : i32
      %swap3A_323 = arith.index_cast %add3A_322 : i32 to index
      %swap3A_324 = tpu.vector_load %arg6[%swap3A_323] {strides = array<i32>} : memref<53248xi32, #tpu.memory_space<vmem>>, vector<16xi32>,
      tpu.vector_store %arg6[%swap3A_323], %add3A_320 {strides = array<i32>} : memref<53248xi32, #tpu.memory_space<vmem>>, vector<16xi32>,
      %broadcast_in_dim3A_325 = arith.constant 25 : i32
      %broadcast_in_dim3A_326 = vector.broadcast %broadcast_in_dim3A_325 : i32 to vector<16xi32>
      %gather3A_327 = tpu.vector_load_idx %arg5[%broadcast_in_dim3A, %broadcast_in_dim3A_326] : memref<128x77xi32, #tpu.memory_space<vmem>>[vector<16xi32>, vector<16xi32>], vector<16xi32>,
      %add3A_328 = arith.addi %mul3A_5, %gather3A_327 : vector<16xi32>
      %add3A_329 = arith.constant 40000000 : i32
      %add3A_330 = vector.broadcast %add3A_329 : i32 to vector<16xi32>
      %add3A_331 = arith.addi %add3A_328, %add3A_330 : vector<16xi32>
      %add3A_332 = arith.constant 400 : i32
      %add3A_333 = arith.addi %mul3A_51, %add3A_332 : i32
      %swap3A_334 = arith.index_cast %add3A_333 : i32 to index
      %swap3A_335 = tpu.vector_load %arg6[%swap3A_334] {strides = array<i32>} : memref<53248xi32, #tpu.memory_space<vmem>>, vector<16xi32>,
      tpu.vector_store %arg6[%swap3A_334], %add3A_331 {strides = array<i32>} : memref<53248xi32, #tpu.memory_space<vmem>>, vector<16xi32>,
    }
    %scan3A_10 = arith.constant 64 : i32
    %dma_start3A = arith.constant 0 : i32
    %dma_start3A_11 = tpu.memref_slice %arg7[%dma_start3A] : memref<53248xf32, #tpu.memory_space<vmem>> -> memref<26624xf32, #tpu.memory_space<vmem>>
    %dma_start3A_12 = arith.constant 0 : i32
    %dma_start3A_13 = tpu.memref_slice %arg6[%dma_start3A_12] : memref<53248xi32, #tpu.memory_space<vmem>> -> memref<26624xi32, #tpu.memory_space<vmem>>
    %dma_start3A_14 = arith.constant 0 : i32
    %dma_start3A_15 = tpu.memref_slice %arg3[%dma_start3A_14] : memref<41600000xf32, #tpu.memory_space<hbm>> -> memref<41600000xf32, #tpu.memory_space<hbm>>
    tpu.enqueue_indirect_dma source(%dma_start3A_15 : memref<41600000xf32, #tpu.memory_space<hbm>>) target(%dma_start3A_11 : memref<26624xf32, #tpu.memory_space<vmem>>) offsets(%dma_start3A_13 : memref<26624xi32, #tpu.memory_space<vmem>>) semaphore(%arg8 : memref<!tpu.dma_semaphore, #tpu.memory_space<semaphore_mem>>)
    %scan3A_16 = arith.constant 0 : i32
    %scan3A_17 = arith.constant 64 : i32
    %scan3A_18 = arith.constant 64 : i32
    %scan3A_19 = arith.addi %scan3A_17, %scan3A_18 : i32
    %scan3A_20 = arith.constant 1 : i32
    scf.for %scan3A_49 = %scan3A_17 to %scan3A_19 step %scan3A_20  : i32 {
      %mul3A_50 = arith.constant 416 : i32
      %mul3A_51 = arith.muli %scan3A_49, %mul3A_50 : i32
      %broadcast_in_dim3A = vector.broadcast %scan3A_49 : i32 to vector<16xi32>
      %broadcast_in_dim3A_52 = arith.constant 0 : i32
      %broadcast_in_dim3A_53 = vector.broadcast %broadcast_in_dim3A_52 : i32 to vector<16xi32>
      %gather3A = tpu.vector_load_idx %arg5[%broadcast_in_dim3A, %broadcast_in_dim3A_53] : memref<128x77xi32, #tpu.memory_space<vmem>>[vector<16xi32>, vector<16xi32>], vector<16xi32>,
      %add3A_54 = arith.addi %mul3A_5, %gather3A : vector<16xi32>
      %add3A_55 = arith.constant 0 : i32
      %add3A_56 = vector.broadcast %add3A_55 : i32 to vector<16xi32>
      %add3A_57 = arith.addi %add3A_54, %add3A_56 : vector<16xi32>
      %add3A_58 = arith.constant 0 : i32
      %add3A_59 = arith.addi %mul3A_51, %add3A_58 : i32
      %swap3A = arith.index_cast %add3A_59 : i32 to index
      %swap3A_60 = tpu.vector_load %arg6[%swap3A] {strides = array<i32>} : memref<53248xi32, #tpu.memory_space<vmem>>, vector<16xi32>,
      tpu.vector_store %arg6[%swap3A], %add3A_57 {strides = array<i32>} : memref<53248xi32, #tpu.memory_space<vmem>>, vector<16xi32>,
      %broadcast_in_dim3A_61 = arith.constant 1 : i32
      %broadcast_in_dim3A_62 = vector.broadcast %broadcast_in_dim3A_61 : i32 to vector<16xi32>
      %gather3A_63 = tpu.vector_load_idx %arg5[%broadcast_in_dim3A, %broadcast_in_dim3A_62] : memref<128x77xi32, #tpu.memory_space<vmem>>[vector<16xi32>, vector<16xi32>], vector<16xi32>,
      %add3A_64 = arith.addi %mul3A_5, %gather3A_63 : vector<16xi32>
      %add3A_65 = arith.constant 1600000 : i32
      %add3A_66 = vector.broadcast %add3A_65 : i32 to vector<16xi32>
      %add3A_67 = arith.addi %add3A_64, %add3A_66 : vector<16xi32>
      %add3A_68 = arith.constant 16 : i32
      %add3A_69 = arith.addi %mul3A_51, %add3A_68 : i32
      %swap3A_70 = arith.index_cast %add3A_69 : i32 to index
      %swap3A_71 = tpu.vector_load %arg6[%swap3A_70] {strides = array<i32>} : memref<53248xi32, #tpu.memory_space<vmem>>, vector<16xi32>,
      tpu.vector_store %arg6[%swap3A_70], %add3A_67 {strides = array<i32>} : memref<53248xi32, #tpu.memory_space<vmem>>, vector<16xi32>,
      %broadcast_in_dim3A_72 = arith.constant 2 : i32
      %broadcast_in_dim3A_73 = vector.broadcast %broadcast_in_dim3A_72 : i32 to vector<16xi32>
      %gather3A_74 = tpu.vector_load_idx %arg5[%broadcast_in_dim3A, %broadcast_in_dim3A_73] : memref<128x77xi32, #tpu.memory_space<vmem>>[vector<16xi32>, vector<16xi32>], vector<16xi32>,
      %add3A_75 = arith.addi %mul3A_5, %gather3A_74 : vector<16xi32>
      %add3A_76 = arith.constant 3200000 : i32
      %add3A_77 = vector.broadcast %add3A_76 : i32 to vector<16xi32>
      %add3A_78 = arith.addi %add3A_75, %add3A_77 : vector<16xi32>
      %add3A_79 = arith.constant 32 : i32
      %add3A_80 = arith.addi %mul3A_51, %add3A_79 : i32
      %swap3A_81 = arith.index_cast %add3A_80 : i32 to index
      %swap3A_82 = tpu.vector_load %arg6[%swap3A_81] {strides = array<i32>} : memref<53248xi32, #tpu.memory_space<vmem>>, vector<16xi32>,
      tpu.vector_store %arg6[%swap3A_81], %add3A_78 {strides = array<i32>} : memref<53248xi32, #tpu.memory_space<vmem>>, vector<16xi32>,
      %broadcast_in_dim3A_83 = arith.constant 3 : i32
      %broadcast_in_dim3A_84 = vector.broadcast %broadcast_in_dim3A_83 : i32 to vector<16xi32>
      %gather3A_85 = tpu.vector_load_idx %arg5[%broadcast_in_dim3A, %broadcast_in_dim3A_84] : memref<128x77xi32, #tpu.memory_space<vmem>>[vector<16xi32>, vector<16xi32>], vector<16xi32>,
      %add3A_86 = arith.addi %mul3A_5, %gather3A_85 : vector<16xi32>
      %add3A_87 = arith.constant 4800000 : i32
      %add3A_88 = vector.broadcast %add3A_87 : i32 to vector<16xi32>
      %add3A_89 = arith.addi %add3A_86, %add3A_88 : vector<16xi32>
      %add3A_90 = arith.constant 48 : i32
      %add3A_91 = arith.addi %mul3A_51, %add3A_90 : i32
      %swap3A_92 = arith.index_cast %add3A_91 : i32 to index
      %swap3A_93 = tpu.vector_load %arg6[%swap3A_92] {strides = array<i32>} : memref<53248xi32, #tpu.memory_space<vmem>>, vector<16xi32>,
      tpu.vector_store %arg6[%swap3A_92], %add3A_89 {strides = array<i32>} : memref<53248xi32, #tpu.memory_space<vmem>>, vector<16xi32>,
      %broadcast_in_dim3A_94 = arith.constant 4 : i32
      %broadcast_in_dim3A_95 = vector.broadcast %broadcast_in_dim3A_94 : i32 to vector<16xi32>
      %gather3A_96 = tpu.vector_load_idx %arg5[%broadcast_in_dim3A, %broadcast_in_dim3A_95] : memref<128x77xi32, #tpu.memory_space<vmem>>[vector<16xi32>, vector<16xi32>], vector<16xi32>,
      %add3A_97 = arith.addi %mul3A_5, %gather3A_96 : vector<16xi32>
      %add3A_98 = arith.constant 6400000 : i32
      %add3A_99 = vector.broadcast %add3A_98 : i32 to vector<16xi32>
      %add3A_100 = arith.addi %add3A_97, %add3A_99 : vector<16xi32>
      %add3A_101 = arith.constant 64 : i32
      %add3A_102 = arith.addi %mul3A_51, %add3A_101 : i32
      %swap3A_103 = arith.index_cast %add3A_102 : i32 to index
      %swap3A_104 = tpu.vector_load %arg6[%swap3A_103] {strides = array<i32>} : memref<53248xi32, #tpu.memory_space<vmem>>, vector<16xi32>,
      tpu.vector_store %arg6[%swap3A_103], %add3A_100 {strides = array<i32>} : memref<53248xi32, #tpu.memory_space<vmem>>, vector<16xi32>,
      %broadcast_in_dim3A_105 = arith.constant 5 : i32
      %broadcast_in_dim3A_106 = vector.broadcast %broadcast_in_dim3A_105 : i32 to vector<16xi32>
      %gather3A_107 = tpu.vector_load_idx %arg5[%broadcast_in_dim3A, %broadcast_in_dim3A_106] : memref<128x77xi32, #tpu.memory_space<vmem>>[vector<16xi32>, vector<16xi32>], vector<16xi32>,
      %add3A_108 = arith.addi %mul3A_5, %gather3A_107 : vector<16xi32>
      %add3A_109 = arith.constant 8000000 : i32
      %add3A_110 = vector.broadcast %add3A_109 : i32 to vector<16xi32>
      %add3A_111 = arith.addi %add3A_108, %add3A_110 : vector<16xi32>
      %add3A_112 = arith.constant 80 : i32
      %add3A_113 = arith.addi %mul3A_51, %add3A_112 : i32
      %swap3A_114 = arith.index_cast %add3A_113 : i32 to index
      %swap3A_115 = tpu.vector_load %arg6[%swap3A_114] {strides = array<i32>} : memref<53248xi32, #tpu.memory_space<vmem>>, vector<16xi32>,
      tpu.vector_store %arg6[%swap3A_114], %add3A_111 {strides = array<i32>} : memref<53248xi32, #tpu.memory_space<vmem>>, vector<16xi32>,
      %broadcast_in_dim3A_116 = arith.constant 6 : i32
      %broadcast_in_dim3A_117 = vector.broadcast %broadcast_in_dim3A_116 : i32 to vector<16xi32>
      %gather3A_118 = tpu.vector_load_idx %arg5[%broadcast_in_dim3A, %broadcast_in_dim3A_117] : memref<128x77xi32, #tpu.memory_space<vmem>>[vector<16xi32>, vector<16xi32>], vector<16xi32>,
      %add3A_119 = arith.addi %mul3A_5, %gather3A_118 : vector<16xi32>
      %add3A_120 = arith.constant 9600000 : i32
      %add3A_121 = vector.broadcast %add3A_120 : i32 to vector<16xi32>
      %add3A_122 = arith.addi %add3A_119, %add3A_121 : vector<16xi32>
      %add3A_123 = arith.constant 96 : i32
      %add3A_124 = arith.addi %mul3A_51, %add3A_123 : i32
      %swap3A_125 = arith.index_cast %add3A_124 : i32 to index
      %swap3A_126 = tpu.vector_load %arg6[%swap3A_125] {strides = array<i32>} : memref<53248xi32, #tpu.memory_space<vmem>>, vector<16xi32>,
      tpu.vector_store %arg6[%swap3A_125], %add3A_122 {strides = array<i32>} : memref<53248xi32, #tpu.memory_space<vmem>>, vector<16xi32>,
      %broadcast_in_dim3A_127 = arith.constant 7 : i32
      %broadcast_in_dim3A_128 = vector.broadcast %broadcast_in_dim3A_127 : i32 to vector<16xi32>
      %gather3A_129 = tpu.vector_load_idx %arg5[%broadcast_in_dim3A, %broadcast_in_dim3A_128] : memref<128x77xi32, #tpu.memory_space<vmem>>[vector<16xi32>, vector<16xi32>], vector<16xi32>,
      %add3A_130 = arith.addi %mul3A_5, %gather3A_129 : vector<16xi32>
      %add3A_131 = arith.constant 11200000 : i32
      %add3A_132 = vector.broadcast %add3A_131 : i32 to vector<16xi32>
      %add3A_133 = arith.addi %add3A_130, %add3A_132 : vector<16xi32>
      %add3A_134 = arith.constant 112 : i32
      %add3A_135 = arith.addi %mul3A_51, %add3A_134 : i32
      %swap3A_136 = arith.index_cast %add3A_135 : i32 to index
      %swap3A_137 = tpu.vector_load %arg6[%swap3A_136] {strides = array<i32>} : memref<53248xi32, #tpu.memory_space<vmem>>, vector<16xi32>,
      tpu.vector_store %arg6[%swap3A_136], %add3A_133 {strides = array<i32>} : memref<53248xi32, #tpu.memory_space<vmem>>, vector<16xi32>,
      %broadcast_in_dim3A_138 = arith.constant 8 : i32
      %broadcast_in_dim3A_139 = vector.broadcast %broadcast_in_dim3A_138 : i32 to vector<16xi32>
      %gather3A_140 = tpu.vector_load_idx %arg5[%broadcast_in_dim3A, %broadcast_in_dim3A_139] : memref<128x77xi32, #tpu.memory_space<vmem>>[vector<16xi32>, vector<16xi32>], vector<16xi32>,
      %add3A_141 = arith.addi %mul3A_5, %gather3A_140 : vector<16xi32>
      %add3A_142 = arith.constant 12800000 : i32
      %add3A_143 = vector.broadcast %add3A_142 : i32 to vector<16xi32>
      %add3A_144 = arith.addi %add3A_141, %add3A_143 : vector<16xi32>
      %add3A_145 = arith.constant 128 : i32
      %add3A_146 = arith.addi %mul3A_51, %add3A_145 : i32
      %swap3A_147 = arith.index_cast %add3A_146 : i32 to index
      %swap3A_148 = tpu.vector_load %arg6[%swap3A_147] {strides = array<i32>} : memref<53248xi32, #tpu.memory_space<vmem>>, vector<16xi32>,
      tpu.vector_store %arg6[%swap3A_147], %add3A_144 {strides = array<i32>} : memref<53248xi32, #tpu.memory_space<vmem>>, vector<16xi32>,
      %broadcast_in_dim3A_149 = arith.constant 9 : i32
      %broadcast_in_dim3A_150 = vector.broadcast %broadcast_in_dim3A_149 : i32 to vector<16xi32>
      %gather3A_151 = tpu.vector_load_idx %arg5[%broadcast_in_dim3A, %broadcast_in_dim3A_150] : memref<128x77xi32, #tpu.memory_space<vmem>>[vector<16xi32>, vector<16xi32>], vector<16xi32>,
      %add3A_152 = arith.addi %mul3A_5, %gather3A_151 : vector<16xi32>
      %add3A_153 = arith.constant 14400000 : i32
      %add3A_154 = vector.broadcast %add3A_153 : i32 to vector<16xi32>
      %add3A_155 = arith.addi %add3A_152, %add3A_154 : vector<16xi32>
      %add3A_156 = arith.constant 144 : i32
      %add3A_157 = arith.addi %mul3A_51, %add3A_156 : i32
      %swap3A_158 = arith.index_cast %add3A_157 : i32 to index
      %swap3A_159 = tpu.vector_load %arg6[%swap3A_158] {strides = array<i32>} : memref<53248xi32, #tpu.memory_space<vmem>>, vector<16xi32>,
      tpu.vector_store %arg6[%swap3A_158], %add3A_155 {strides = array<i32>} : memref<53248xi32, #tpu.memory_space<vmem>>, vector<16xi32>,
      %broadcast_in_dim3A_160 = arith.constant 10 : i32
      %broadcast_in_dim3A_161 = vector.broadcast %broadcast_in_dim3A_160 : i32 to vector<16xi32>
      %gather3A_162 = tpu.vector_load_idx %arg5[%broadcast_in_dim3A, %broadcast_in_dim3A_161] : memref<128x77xi32, #tpu.memory_space<vmem>>[vector<16xi32>, vector<16xi32>], vector<16xi32>,
      %add3A_163 = arith.addi %mul3A_5, %gather3A_162 : vector<16xi32>
      %add3A_164 = arith.constant 16000000 : i32
      %add3A_165 = vector.broadcast %add3A_164 : i32 to vector<16xi32>
      %add3A_166 = arith.addi %add3A_163, %add3A_165 : vector<16xi32>
      %add3A_167 = arith.constant 160 : i32
      %add3A_168 = arith.addi %mul3A_51, %add3A_167 : i32
      %swap3A_169 = arith.index_cast %add3A_168 : i32 to index
      %swap3A_170 = tpu.vector_load %arg6[%swap3A_169] {strides = array<i32>} : memref<53248xi32, #tpu.memory_space<vmem>>, vector<16xi32>,
      tpu.vector_store %arg6[%swap3A_169], %add3A_166 {strides = array<i32>} : memref<53248xi32, #tpu.memory_space<vmem>>, vector<16xi32>,
      %broadcast_in_dim3A_171 = arith.constant 11 : i32
      %broadcast_in_dim3A_172 = vector.broadcast %broadcast_in_dim3A_171 : i32 to vector<16xi32>
      %gather3A_173 = tpu.vector_load_idx %arg5[%broadcast_in_dim3A, %broadcast_in_dim3A_172] : memref<128x77xi32, #tpu.memory_space<vmem>>[vector<16xi32>, vector<16xi32>], vector<16xi32>,
      %add3A_174 = arith.addi %mul3A_5, %gather3A_173 : vector<16xi32>
      %add3A_175 = arith.constant 17600000 : i32
      %add3A_176 = vector.broadcast %add3A_175 : i32 to vector<16xi32>
      %add3A_177 = arith.addi %add3A_174, %add3A_176 : vector<16xi32>
      %add3A_178 = arith.constant 176 : i32
      %add3A_179 = arith.addi %mul3A_51, %add3A_178 : i32
      %swap3A_180 = arith.index_cast %add3A_179 : i32 to index
      %swap3A_181 = tpu.vector_load %arg6[%swap3A_180] {strides = array<i32>} : memref<53248xi32, #tpu.memory_space<vmem>>, vector<16xi32>,
      tpu.vector_store %arg6[%swap3A_180], %add3A_177 {strides = array<i32>} : memref<53248xi32, #tpu.memory_space<vmem>>, vector<16xi32>,
      %broadcast_in_dim3A_182 = arith.constant 12 : i32
      %broadcast_in_dim3A_183 = vector.broadcast %broadcast_in_dim3A_182 : i32 to vector<16xi32>
      %gather3A_184 = tpu.vector_load_idx %arg5[%broadcast_in_dim3A, %broadcast_in_dim3A_183] : memref<128x77xi32, #tpu.memory_space<vmem>>[vector<16xi32>, vector<16xi32>], vector<16xi32>,
      %add3A_185 = arith.addi %mul3A_5, %gather3A_184 : vector<16xi32>
      %add3A_186 = arith.constant 19200000 : i32
      %add3A_187 = vector.broadcast %add3A_186 : i32 to vector<16xi32>
      %add3A_188 = arith.addi %add3A_185, %add3A_187 : vector<16xi32>
      %add3A_189 = arith.constant 192 : i32
      %add3A_190 = arith.addi %mul3A_51, %add3A_189 : i32
      %swap3A_191 = arith.index_cast %add3A_190 : i32 to index
      %swap3A_192 = tpu.vector_load %arg6[%swap3A_191] {strides = array<i32>} : memref<53248xi32, #tpu.memory_space<vmem>>, vector<16xi32>,
      tpu.vector_store %arg6[%swap3A_191], %add3A_188 {strides = array<i32>} : memref<53248xi32, #tpu.memory_space<vmem>>, vector<16xi32>,
      %broadcast_in_dim3A_193 = arith.constant 13 : i32
      %broadcast_in_dim3A_194 = vector.broadcast %broadcast_in_dim3A_193 : i32 to vector<16xi32>
      %gather3A_195 = tpu.vector_load_idx %arg5[%broadcast_in_dim3A, %broadcast_in_dim3A_194] : memref<128x77xi32, #tpu.memory_space<vmem>>[vector<16xi32>, vector<16xi32>], vector<16xi32>,
      %add3A_196 = arith.addi %mul3A_5, %gather3A_195 : vector<16xi32>
      %add3A_197 = arith.constant 20800000 : i32
      %add3A_198 = vector.broadcast %add3A_197 : i32 to vector<16xi32>
      %add3A_199 = arith.addi %add3A_196, %add3A_198 : vector<16xi32>
      %add3A_200 = arith.constant 208 : i32
      %add3A_201 = arith.addi %mul3A_51, %add3A_200 : i32
      %swap3A_202 = arith.index_cast %add3A_201 : i32 to index
      %swap3A_203 = tpu.vector_load %arg6[%swap3A_202] {strides = array<i32>} : memref<53248xi32, #tpu.memory_space<vmem>>, vector<16xi32>,
      tpu.vector_store %arg6[%swap3A_202], %add3A_199 {strides = array<i32>} : memref<53248xi32, #tpu.memory_space<vmem>>, vector<16xi32>,
      %broadcast_in_dim3A_204 = arith.constant 14 : i32
      %broadcast_in_dim3A_205 = vector.broadcast %broadcast_in_dim3A_204 : i32 to vector<16xi32>
      %gather3A_206 = tpu.vector_load_idx %arg5[%broadcast_in_dim3A, %broadcast_in_dim3A_205] : memref<128x77xi32, #tpu.memory_space<vmem>>[vector<16xi32>, vector<16xi32>], vector<16xi32>,
      %add3A_207 = arith.addi %mul3A_5, %gather3A_206 : vector<16xi32>
      %add3A_208 = arith.constant 22400000 : i32
      %add3A_209 = vector.broadcast %add3A_208 : i32 to vector<16xi32>
      %add3A_210 = arith.addi %add3A_207, %add3A_209 : vector<16xi32>
      %add3A_211 = arith.constant 224 : i32
      %add3A_212 = arith.addi %mul3A_51, %add3A_211 : i32
      %swap3A_213 = arith.index_cast %add3A_212 : i32 to index
      %swap3A_214 = tpu.vector_load %arg6[%swap3A_213] {strides = array<i32>} : memref<53248xi32, #tpu.memory_space<vmem>>, vector<16xi32>,
      tpu.vector_store %arg6[%swap3A_213], %add3A_210 {strides = array<i32>} : memref<53248xi32, #tpu.memory_space<vmem>>, vector<16xi32>,
      %broadcast_in_dim3A_215 = arith.constant 15 : i32
      %broadcast_in_dim3A_216 = vector.broadcast %broadcast_in_dim3A_215 : i32 to vector<16xi32>
      %gather3A_217 = tpu.vector_load_idx %arg5[%broadcast_in_dim3A, %broadcast_in_dim3A_216] : memref<128x77xi32, #tpu.memory_space<vmem>>[vector<16xi32>, vector<16xi32>], vector<16xi32>,
      %add3A_218 = arith.addi %mul3A_5, %gather3A_217 : vector<16xi32>
      %add3A_219 = arith.constant 24000000 : i32
      %add3A_220 = vector.broadcast %add3A_219 : i32 to vector<16xi32>
      %add3A_221 = arith.addi %add3A_218, %add3A_220 : vector<16xi32>
      %add3A_222 = arith.constant 240 : i32
      %add3A_223 = arith.addi %mul3A_51, %add3A_222 : i32
      %swap3A_224 = arith.index_cast %add3A_223 : i32 to index
      %swap3A_225 = tpu.vector_load %arg6[%swap3A_224] {strides = array<i32>} : memref<53248xi32, #tpu.memory_space<vmem>>, vector<16xi32>,
      tpu.vector_store %arg6[%swap3A_224], %add3A_221 {strides = array<i32>} : memref<53248xi32, #tpu.memory_space<vmem>>, vector<16xi32>,
      %broadcast_in_dim3A_226 = arith.constant 16 : i32
      %broadcast_in_dim3A_227 = vector.broadcast %broadcast_in_dim3A_226 : i32 to vector<16xi32>
      %gather3A_228 = tpu.vector_load_idx %arg5[%broadcast_in_dim3A, %broadcast_in_dim3A_227] : memref<128x77xi32, #tpu.memory_space<vmem>>[vector<16xi32>, vector<16xi32>], vector<16xi32>,
      %add3A_229 = arith.addi %mul3A_5, %gather3A_228 : vector<16xi32>
      %add3A_230 = arith.constant 25600000 : i32
      %add3A_231 = vector.broadcast %add3A_230 : i32 to vector<16xi32>
      %add3A_232 = arith.addi %add3A_229, %add3A_231 : vector<16xi32>
      %add3A_233 = arith.constant 256 : i32
      %add3A_234 = arith.addi %mul3A_51, %add3A_233 : i32
      %swap3A_235 = arith.index_cast %add3A_234 : i32 to index
      %swap3A_236 = tpu.vector_load %arg6[%swap3A_235] {strides = array<i32>} : memref<53248xi32, #tpu.memory_space<vmem>>, vector<16xi32>,
      tpu.vector_store %arg6[%swap3A_235], %add3A_232 {strides = array<i32>} : memref<53248xi32, #tpu.memory_space<vmem>>, vector<16xi32>,
      %broadcast_in_dim3A_237 = arith.constant 17 : i32
      %broadcast_in_dim3A_238 = vector.broadcast %broadcast_in_dim3A_237 : i32 to vector<16xi32>
      %gather3A_239 = tpu.vector_load_idx %arg5[%broadcast_in_dim3A, %broadcast_in_dim3A_238] : memref<128x77xi32, #tpu.memory_space<vmem>>[vector<16xi32>, vector<16xi32>], vector<16xi32>,
      %add3A_240 = arith.addi %mul3A_5, %gather3A_239 : vector<16xi32>
      %add3A_241 = arith.constant 27200000 : i32
      %add3A_242 = vector.broadcast %add3A_241 : i32 to vector<16xi32>
      %add3A_243 = arith.addi %add3A_240, %add3A_242 : vector<16xi32>
      %add3A_244 = arith.constant 272 : i32
      %add3A_245 = arith.addi %mul3A_51, %add3A_244 : i32
      %swap3A_246 = arith.index_cast %add3A_245 : i32 to index
      %swap3A_247 = tpu.vector_load %arg6[%swap3A_246] {strides = array<i32>} : memref<53248xi32, #tpu.memory_space<vmem>>, vector<16xi32>,
      tpu.vector_store %arg6[%swap3A_246], %add3A_243 {strides = array<i32>} : memref<53248xi32, #tpu.memory_space<vmem>>, vector<16xi32>,
      %broadcast_in_dim3A_248 = arith.constant 18 : i32
      %broadcast_in_dim3A_249 = vector.broadcast %broadcast_in_dim3A_248 : i32 to vector<16xi32>
      %gather3A_250 = tpu.vector_load_idx %arg5[%broadcast_in_dim3A, %broadcast_in_dim3A_249] : memref<128x77xi32, #tpu.memory_space<vmem>>[vector<16xi32>, vector<16xi32>], vector<16xi32>,
      %add3A_251 = arith.addi %mul3A_5, %gather3A_250 : vector<16xi32>
      %add3A_252 = arith.constant 28800000 : i32
      %add3A_253 = vector.broadcast %add3A_252 : i32 to vector<16xi32>
      %add3A_254 = arith.addi %add3A_251, %add3A_253 : vector<16xi32>
      %add3A_255 = arith.constant 288 : i32
      %add3A_256 = arith.addi %mul3A_51, %add3A_255 : i32
      %swap3A_257 = arith.index_cast %add3A_256 : i32 to index
      %swap3A_258 = tpu.vector_load %arg6[%swap3A_257] {strides = array<i32>} : memref<53248xi32, #tpu.memory_space<vmem>>, vector<16xi32>,
      tpu.vector_store %arg6[%swap3A_257], %add3A_254 {strides = array<i32>} : memref<53248xi32, #tpu.memory_space<vmem>>, vector<16xi32>,
      %broadcast_in_dim3A_259 = arith.constant 19 : i32
      %broadcast_in_dim3A_260 = vector.broadcast %broadcast_in_dim3A_259 : i32 to vector<16xi32>
      %gather3A_261 = tpu.vector_load_idx %arg5[%broadcast_in_dim3A, %broadcast_in_dim3A_260] : memref<128x77xi32, #tpu.memory_space<vmem>>[vector<16xi32>, vector<16xi32>], vector<16xi32>,
      %add3A_262 = arith.addi %mul3A_5, %gather3A_261 : vector<16xi32>
      %add3A_263 = arith.constant 30400000 : i32
      %add3A_264 = vector.broadcast %add3A_263 : i32 to vector<16xi32>
      %add3A_265 = arith.addi %add3A_262, %add3A_264 : vector<16xi32>
      %add3A_266 = arith.constant 304 : i32
      %add3A_267 = arith.addi %mul3A_51, %add3A_266 : i32
      %swap3A_268 = arith.index_cast %add3A_267 : i32 to index
      %swap3A_269 = tpu.vector_load %arg6[%swap3A_268] {strides = array<i32>} : memref<53248xi32, #tpu.memory_space<vmem>>, vector<16xi32>,
      tpu.vector_store %arg6[%swap3A_268], %add3A_265 {strides = array<i32>} : memref<53248xi32, #tpu.memory_space<vmem>>, vector<16xi32>,
      %broadcast_in_dim3A_270 = arith.constant 20 : i32
      %broadcast_in_dim3A_271 = vector.broadcast %broadcast_in_dim3A_270 : i32 to vector<16xi32>
      %gather3A_272 = tpu.vector_load_idx %arg5[%broadcast_in_dim3A, %broadcast_in_dim3A_271] : memref<128x77xi32, #tpu.memory_space<vmem>>[vector<16xi32>, vector<16xi32>], vector<16xi32>,
      %add3A_273 = arith.addi %mul3A_5, %gather3A_272 : vector<16xi32>
      %add3A_274 = arith.constant 32000000 : i32
      %add3A_275 = vector.broadcast %add3A_274 : i32 to vector<16xi32>
      %add3A_276 = arith.addi %add3A_273, %add3A_275 : vector<16xi32>
      %add3A_277 = arith.constant 320 : i32
      %add3A_278 = arith.addi %mul3A_51, %add3A_277 : i32
      %swap3A_279 = arith.index_cast %add3A_278 : i32 to index
      %swap3A_280 = tpu.vector_load %arg6[%swap3A_279] {strides = array<i32>} : memref<53248xi32, #tpu.memory_space<vmem>>, vector<16xi32>,
      tpu.vector_store %arg6[%swap3A_279], %add3A_276 {strides = array<i32>} : memref<53248xi32, #tpu.memory_space<vmem>>, vector<16xi32>,
      %broadcast_in_dim3A_281 = arith.constant 21 : i32
      %broadcast_in_dim3A_282 = vector.broadcast %broadcast_in_dim3A_281 : i32 to vector<16xi32>
      %gather3A_283 = tpu.vector_load_idx %arg5[%broadcast_in_dim3A, %broadcast_in_dim3A_282] : memref<128x77xi32, #tpu.memory_space<vmem>>[vector<16xi32>, vector<16xi32>], vector<16xi32>,
      %add3A_284 = arith.addi %mul3A_5, %gather3A_283 : vector<16xi32>
      %add3A_285 = arith.constant 33600000 : i32
      %add3A_286 = vector.broadcast %add3A_285 : i32 to vector<16xi32>
      %add3A_287 = arith.addi %add3A_284, %add3A_286 : vector<16xi32>
      %add3A_288 = arith.constant 336 : i32
      %add3A_289 = arith.addi %mul3A_51, %add3A_288 : i32
      %swap3A_290 = arith.index_cast %add3A_289 : i32 to index
      %swap3A_291 = tpu.vector_load %arg6[%swap3A_290] {strides = array<i32>} : memref<53248xi32, #tpu.memory_space<vmem>>, vector<16xi32>,
      tpu.vector_store %arg6[%swap3A_290], %add3A_287 {strides = array<i32>} : memref<53248xi32, #tpu.memory_space<vmem>>, vector<16xi32>,
      %broadcast_in_dim3A_292 = arith.constant 22 : i32
      %broadcast_in_dim3A_293 = vector.broadcast %broadcast_in_dim3A_292 : i32 to vector<16xi32>
      %gather3A_294 = tpu.vector_load_idx %arg5[%broadcast_in_dim3A, %broadcast_in_dim3A_293] : memref<128x77xi32, #tpu.memory_space<vmem>>[vector<16xi32>, vector<16xi32>], vector<16xi32>,
      %add3A_295 = arith.addi %mul3A_5, %gather3A_294 : vector<16xi32>
      %add3A_296 = arith.constant 35200000 : i32
      %add3A_297 = vector.broadcast %add3A_296 : i32 to vector<16xi32>
      %add3A_298 = arith.addi %add3A_295, %add3A_297 : vector<16xi32>
      %add3A_299 = arith.constant 352 : i32
      %add3A_300 = arith.addi %mul3A_51, %add3A_299 : i32
      %swap3A_301 = arith.index_cast %add3A_300 : i32 to index
      %swap3A_302 = tpu.vector_load %arg6[%swap3A_301] {strides = array<i32>} : memref<53248xi32, #tpu.memory_space<vmem>>, vector<16xi32>,
      tpu.vector_store %arg6[%swap3A_301], %add3A_298 {strides = array<i32>} : memref<53248xi32, #tpu.memory_space<vmem>>, vector<16xi32>,
      %broadcast_in_dim3A_303 = arith.constant 23 : i32
      %broadcast_in_dim3A_304 = vector.broadcast %broadcast_in_dim3A_303 : i32 to vector<16xi32>
      %gather3A_305 = tpu.vector_load_idx %arg5[%broadcast_in_dim3A, %broadcast_in_dim3A_304] : memref<128x77xi32, #tpu.memory_space<vmem>>[vector<16xi32>, vector<16xi32>], vector<16xi32>,
      %add3A_306 = arith.addi %mul3A_5, %gather3A_305 : vector<16xi32>
      %add3A_307 = arith.constant 36800000 : i32
      %add3A_308 = vector.broadcast %add3A_307 : i32 to vector<16xi32>
      %add3A_309 = arith.addi %add3A_306, %add3A_308 : vector<16xi32>
      %add3A_310 = arith.constant 368 : i32
      %add3A_311 = arith.addi %mul3A_51, %add3A_310 : i32
      %swap3A_312 = arith.index_cast %add3A_311 : i32 to index
      %swap3A_313 = tpu.vector_load %arg6[%swap3A_312] {strides = array<i32>} : memref<53248xi32, #tpu.memory_space<vmem>>, vector<16xi32>,
      tpu.vector_store %arg6[%swap3A_312], %add3A_309 {strides = array<i32>} : memref<53248xi32, #tpu.memory_space<vmem>>, vector<16xi32>,
      %broadcast_in_dim3A_314 = arith.constant 24 : i32
      %broadcast_in_dim3A_315 = vector.broadcast %broadcast_in_dim3A_314 : i32 to vector<16xi32>
      %gather3A_316 = tpu.vector_load_idx %arg5[%broadcast_in_dim3A, %broadcast_in_dim3A_315] : memref<128x77xi32, #tpu.memory_space<vmem>>[vector<16xi32>, vector<16xi32>], vector<16xi32>,
      %add3A_317 = arith.addi %mul3A_5, %gather3A_316 : vector<16xi32>
      %add3A_318 = arith.constant 38400000 : i32
      %add3A_319 = vector.broadcast %add3A_318 : i32 to vector<16xi32>
      %add3A_320 = arith.addi %add3A_317, %add3A_319 : vector<16xi32>
      %add3A_321 = arith.constant 384 : i32
      %add3A_322 = arith.addi %mul3A_51, %add3A_321 : i32
      %swap3A_323 = arith.index_cast %add3A_322 : i32 to index
      %swap3A_324 = tpu.vector_load %arg6[%swap3A_323] {strides = array<i32>} : memref<53248xi32, #tpu.memory_space<vmem>>, vector<16xi32>,
      tpu.vector_store %arg6[%swap3A_323], %add3A_320 {strides = array<i32>} : memref<53248xi32, #tpu.memory_space<vmem>>, vector<16xi32>,
      %broadcast_in_dim3A_325 = arith.constant 25 : i32
      %broadcast_in_dim3A_326 = vector.broadcast %broadcast_in_dim3A_325 : i32 to vector<16xi32>
      %gather3A_327 = tpu.vector_load_idx %arg5[%broadcast_in_dim3A, %broadcast_in_dim3A_326] : memref<128x77xi32, #tpu.memory_space<vmem>>[vector<16xi32>, vector<16xi32>], vector<16xi32>,
      %add3A_328 = arith.addi %mul3A_5, %gather3A_327 : vector<16xi32>
      %add3A_329 = arith.constant 40000000 : i32
      %add3A_330 = vector.broadcast %add3A_329 : i32 to vector<16xi32>
      %add3A_331 = arith.addi %add3A_328, %add3A_330 : vector<16xi32>
      %add3A_332 = arith.constant 400 : i32
      %add3A_333 = arith.addi %mul3A_51, %add3A_332 : i32
      %swap3A_334 = arith.index_cast %add3A_333 : i32 to index
      %swap3A_335 = tpu.vector_load %arg6[%swap3A_334] {strides = array<i32>} : memref<53248xi32, #tpu.memory_space<vmem>>, vector<16xi32>,
      tpu.vector_store %arg6[%swap3A_334], %add3A_331 {strides = array<i32>} : memref<53248xi32, #tpu.memory_space<vmem>>, vector<16xi32>,
    }
    %scan3A_21 = arith.constant 64 : i32
    %dma_start3A_22 = arith.constant 26624 : i32
    %dma_start3A_23 = tpu.memref_slice %arg7[%dma_start3A_22] : memref<53248xf32, #tpu.memory_space<vmem>> -> memref<26624xf32, #tpu.memory_space<vmem>>
    %dma_start3A_24 = arith.constant 26624 : i32
    %dma_start3A_25 = tpu.memref_slice %arg6[%dma_start3A_24] : memref<53248xi32, #tpu.memory_space<vmem>> -> memref<26624xi32, #tpu.memory_space<vmem>>
    %dma_start3A_26 = arith.constant 0 : i32
    %dma_start3A_27 = tpu.memref_slice %arg3[%dma_start3A_26] : memref<41600000xf32, #tpu.memory_space<hbm>> -> memref<41600000xf32, #tpu.memory_space<hbm>>
    tpu.enqueue_indirect_dma source(%dma_start3A_27 : memref<41600000xf32, #tpu.memory_space<hbm>>) target(%dma_start3A_23 : memref<26624xf32, #tpu.memory_space<vmem>>) offsets(%dma_start3A_25 : memref<26624xi32, #tpu.memory_space<vmem>>) semaphore(%arg9 : memref<!tpu.dma_semaphore, #tpu.memory_space<semaphore_mem>>)
    %dma_wait3A = arith.constant 0 : i32
    %dma_wait3A_28 = tpu.memref_slice %arg7[%dma_wait3A] : memref<53248xf32, #tpu.memory_space<vmem>> -> memref<26624xf32, #tpu.memory_space<vmem>>
    %dma_wait3A_29 = arith.constant 0 : i32
    %dma_wait3A_30 = tpu.memref_slice %arg6[%dma_wait3A_29] : memref<53248xi32, #tpu.memory_space<vmem>> -> memref<26624xi32, #tpu.memory_space<vmem>>
    %dma_wait3A_31 = arith.constant 0 : i32
    %dma_wait3A_32 = tpu.memref_slice %arg3[%dma_wait3A_31] : memref<41600000xf32, #tpu.memory_space<hbm>> -> memref<41600000xf32, #tpu.memory_space<hbm>>
    tpu.wait_indirect_dma semaphore(%arg8 : memref<!tpu.dma_semaphore, #tpu.memory_space<semaphore_mem>>) src(%dma_wait3A_32 : memref<41600000xf32, #tpu.memory_space<hbm>>) dst(%dma_wait3A_28 : memref<26624xf32, #tpu.memory_space<vmem>>)
    %mul3A_33 = arith.constant 26 : i32
    %mul3A_34 = arith.muli %mul3A_2, %mul3A_33 : i32
    %mul3A_35 = arith.constant 16 : i32
    %mul3A_36 = arith.muli %mul3A_34, %mul3A_35 : i32
    "tpu.region"() ({
      %run_scoped3A = tpu.sem_alloc : memref<!tpu.dma_semaphore, #tpu.memory_space<semaphore_mem>>
      %dma_start3A_49 = arith.constant 0 : i32
      %dma_start3A_50 = tpu.memref_slice %arg7[%dma_start3A_49] : memref<53248xf32, #tpu.memory_space<vmem>> -> memref<26624xf32, #tpu.memory_space<vmem>>
      %dma_start3A_51 = tpu.memref_slice %arg4[%mul3A_36] : memref<1703936xf32, #tpu.memory_space<hbm>> -> memref<26624xf32, #tpu.memory_space<hbm>>
      %dma_start3A_52 = tpu.memref_slice %arg4[%mul3A_36] : memref<1703936xf32, #tpu.memory_space<hbm>> -> memref<26624xf32, #tpu.memory_space<hbm>>
      %dma_start3A_53 = arith.constant 0 : i32
      %dma_start3A_54 = tpu.memref_slice %arg7[%dma_start3A_53] : memref<53248xf32, #tpu.memory_space<vmem>> -> memref<26624xf32, #tpu.memory_space<vmem>>
      tpu.enqueue_dma source(%dma_start3A_54 : memref<26624xf32, #tpu.memory_space<vmem>>) target(%dma_start3A_52 : memref<26624xf32, #tpu.memory_space<hbm>>) target_semaphore(%run_scoped3A : memref<!tpu.dma_semaphore, #tpu.memory_space<semaphore_mem>>)
      %dma_wait3A_55 = arith.constant 0 : i32
      %dma_wait3A_56 = tpu.memref_slice %arg7[%dma_wait3A_55] : memref<53248xf32, #tpu.memory_space<vmem>> -> memref<26624xf32, #tpu.memory_space<vmem>>
      %dma_wait3A_57 = tpu.memref_slice %arg4[%mul3A_36] : memref<1703936xf32, #tpu.memory_space<hbm>> -> memref<26624xf32, #tpu.memory_space<hbm>>
      %dma_wait3A_58 = tpu.memref_slice %arg4[%mul3A_36] : memref<1703936xf32, #tpu.memory_space<hbm>> -> memref<26624xf32, #tpu.memory_space<hbm>>
      %dma_wait3A_59 = arith.constant 0 : i32
      %dma_wait3A_60 = tpu.memref_slice %arg7[%dma_wait3A_59] : memref<53248xf32, #tpu.memory_space<vmem>> -> memref<26624xf32, #tpu.memory_space<vmem>>
      tpu.wait_dma2 semaphore(%run_scoped3A : memref<!tpu.dma_semaphore, #tpu.memory_space<semaphore_mem>>) src(%dma_wait3A_60 : memref<26624xf32, #tpu.memory_space<vmem>>) dst(%dma_wait3A_58 : memref<26624xf32, #tpu.memory_space<hbm>>)
      tpu.yield
    }) : () -> ()
    %dma_wait3A_37 = arith.constant 26624 : i32
    %dma_wait3A_38 = tpu.memref_slice %arg7[%dma_wait3A_37] : memref<53248xf32, #tpu.memory_space<vmem>> -> memref<26624xf32, #tpu.memory_space<vmem>>
    %dma_wait3A_39 = arith.constant 26624 : i32
    %dma_wait3A_40 = tpu.memref_slice %arg6[%dma_wait3A_39] : memref<53248xi32, #tpu.memory_space<vmem>> -> memref<26624xi32, #tpu.memory_space<vmem>>
    %dma_wait3A_41 = arith.constant 0 : i32
    %dma_wait3A_42 = tpu.memref_slice %arg3[%dma_wait3A_41] : memref<41600000xf32, #tpu.memory_space<hbm>> -> memref<41600000xf32, #tpu.memory_space<hbm>>
    tpu.wait_indirect_dma semaphore(%arg9 : memref<!tpu.dma_semaphore, #tpu.memory_space<semaphore_mem>>) src(%dma_wait3A_42 : memref<41600000xf32, #tpu.memory_space<hbm>>) dst(%dma_wait3A_38 : memref<26624xf32, #tpu.memory_space<vmem>>)
    %mul3A_43 = arith.constant 26 : i32
    %mul3A_44 = arith.muli %mul3A_2, %mul3A_43 : i32
    %mul3A_45 = arith.constant 16 : i32
    %mul3A_46 = arith.muli %mul3A_44, %mul3A_45 : i32
    %add3A_47 = arith.constant 26624 : i32
    %add3A_48 = arith.addi %mul3A_46, %add3A_47 : i32
    "tpu.region"() ({
      %run_scoped3A = tpu.sem_alloc : memref<!tpu.dma_semaphore, #tpu.memory_space<semaphore_mem>>
      %dma_start3A_49 = arith.constant 26624 : i32
      %dma_start3A_50 = tpu.memref_slice %arg7[%dma_start3A_49] : memref<53248xf32, #tpu.memory_space<vmem>> -> memref<26624xf32, #tpu.memory_space<vmem>>
      %dma_start3A_51 = tpu.memref_slice %arg4[%add3A_48] : memref<1703936xf32, #tpu.memory_space<hbm>> -> memref<26624xf32, #tpu.memory_space<hbm>>
      %dma_start3A_52 = tpu.memref_slice %arg4[%add3A_48] : memref<1703936xf32, #tpu.memory_space<hbm>> -> memref<26624xf32, #tpu.memory_space<hbm>>
      %dma_start3A_53 = arith.constant 26624 : i32
      %dma_start3A_54 = tpu.memref_slice %arg7[%dma_start3A_53] : memref<53248xf32, #tpu.memory_space<vmem>> -> memref<26624xf32, #tpu.memory_space<vmem>>
      tpu.enqueue_dma source(%dma_start3A_54 : memref<26624xf32, #tpu.memory_space<vmem>>) target(%dma_start3A_52 : memref<26624xf32, #tpu.memory_space<hbm>>) target_semaphore(%run_scoped3A : memref<!tpu.dma_semaphore, #tpu.memory_space<semaphore_mem>>)
      %dma_wait3A_55 = arith.constant 26624 : i32
      %dma_wait3A_56 = tpu.memref_slice %arg7[%dma_wait3A_55] : memref<53248xf32, #tpu.memory_space<vmem>> -> memref<26624xf32, #tpu.memory_space<vmem>>
      %dma_wait3A_57 = tpu.memref_slice %arg4[%add3A_48] : memref<1703936xf32, #tpu.memory_space<hbm>> -> memref<26624xf32, #tpu.memory_space<hbm>>
      %dma_wait3A_58 = tpu.memref_slice %arg4[%add3A_48] : memref<1703936xf32, #tpu.memory_space<hbm>> -> memref<26624xf32, #tpu.memory_space<hbm>>
      %dma_wait3A_59 = arith.constant 26624 : i32
      %dma_wait3A_60 = tpu.memref_slice %arg7[%dma_wait3A_59] : memref<53248xf32, #tpu.memory_space<vmem>> -> memref<26624xf32, #tpu.memory_space<vmem>>
      tpu.wait_dma2 semaphore(%run_scoped3A : memref<!tpu.dma_semaphore, #tpu.memory_space<semaphore_mem>>) src(%dma_wait3A_60 : memref<26624xf32, #tpu.memory_space<vmem>>) dst(%dma_wait3A_58 : memref<26624xf32, #tpu.memory_space<hbm>>)
      tpu.yield
    }) : () -> ()
    return
  }
}

module attributes {stable_mosaic.version = 14 : i64} {
  func.func @_mlp_body(%arg0: i32, %arg1: memref<512x90xf32, #tpu.memory_space<vmem>>, %arg2: memref<512x416xf32, #tpu.memory_space<vmem>>, %arg3: memref<512x800xf32, #tpu.memory_space<vmem>>, %arg4: memref<800x16xf32, #tpu.memory_space<vmem>>, %arg5: memref<445x128xf32, #tpu.memory_space<vmem>>, %arg6: memref<1x128xf32, #tpu.memory_space<vmem>>, %arg7: memref<128x64xf32, #tpu.memory_space<vmem>>, %arg8: memref<1x64xf32, #tpu.memory_space<vmem>>, %arg9: memref<64x3xf32, #tpu.memory_space<vmem>>, %arg10: memref<512x2xf32, #tpu.memory_space<vmem>>, %arg11: memref<512x1xf32, #tpu.memory_space<vmem>>, %arg12: memref<512x2xf32, #tpu.memory_space<vmem>>, %arg13: memref<512x1xf32, #tpu.memory_space<vmem>>) attributes {dimension_semantics = [#tpu.dimension_semantics<arbitrary>], iteration_bounds = array<i64: 8>, scalar_prefetch = 0 : i64, scratch_operands = 0 : i64, tpu.core_type = #tpu.core_type<tc>, window_params = [{transform_indices = @transform_0, window_bounds = array<i64: 512, 90>}, {transform_indices = @transform_1, window_bounds = array<i64: 512, 416>}, {transform_indices = @transform_2, window_bounds = array<i64: 512, 800>}, {pipeline_mode = #tpu.pipeline_mode<synchronous>, transform_indices = @transform_3, window_bounds = array<i64: 800, 16>}, {pipeline_mode = #tpu.pipeline_mode<synchronous>, transform_indices = @transform_4, window_bounds = array<i64: 445, 128>}, {pipeline_mode = #tpu.pipeline_mode<synchronous>, transform_indices = @transform_5, window_bounds = array<i64: 1, 128>}, {pipeline_mode = #tpu.pipeline_mode<synchronous>, transform_indices = @transform_6, window_bounds = array<i64: 128, 64>}, {pipeline_mode = #tpu.pipeline_mode<synchronous>, transform_indices = @transform_7, window_bounds = array<i64: 1, 64>}, {pipeline_mode = #tpu.pipeline_mode<synchronous>, transform_indices = @transform_8, window_bounds = array<i64: 64, 3>}, {transform_indices = @transform_9, window_bounds = array<i64: 512, 2>}, {transform_indices = @transform_10, window_bounds = array<i64: 512, 1>}, {transform_indices = @transform_11, window_bounds = array<i64: 512, 2>}, {transform_indices = @transform_12, window_bounds = array<i64: 512, 1>}]} {
    %get3A = arith.constant 0 : index
    %get3A_0 = arith.constant 0 : index
    %get3A_1 = vector.load %arg1[%get3A, %get3A_0] : memref<512x90xf32, #tpu.memory_space<vmem>>, vector<512x13xf32>
    %get3A_2 = arith.constant 0 : index
    %get3A_3 = arith.constant 89 : index
    %get3A_4 = vector.load %arg1[%get3A_2, %get3A_3] : memref<512x90xf32, #tpu.memory_space<vmem>>, vector<512x1xf32>
    %convert_element_type3A = arith.fptosi %get3A_4 : vector<512x1xf32> to vector<512x1xi32>
    %iota3A = tpu.iota {dimensions = array<i32: 1>} : vector<512x800xi32>
    %jit3A = arith.constant 16 : i32
    %div3A = vector.broadcast %jit3A : i32 to vector<512x800xi32>
    %div3A_5 = arith.divsi %iota3A, %div3A : vector<512x800xi32>
    %sign3A = arith.constant 0 : i32
    %sign3A_6 = vector.broadcast %sign3A : i32 to vector<512x800xi32>
    %sign3A_7 = arith.cmpi sgt, %iota3A, %sign3A_6 : vector<512x800xi32>
    %sign3A_8 = arith.extui %sign3A_7 : vector<512x800xi1> to vector<512x800xi32>
    %sign3A_9 = arith.constant 0 : i32
    %sign3A_10 = vector.broadcast %sign3A_9 : i32 to vector<512x800xi32>
    %sign3A_11 = arith.cmpi slt, %iota3A, %sign3A_10 : vector<512x800xi32>
    %sign3A_12 = arith.extui %sign3A_11 : vector<512x800xi1> to vector<512x800xi32>
    %sign3A_13 = arith.subi %sign3A_8, %sign3A_12 : vector<512x800xi32>
    %sign3A_14 = arith.constant 0 : i32
    %sign3A_15 = arith.cmpi sgt, %jit3A, %sign3A_14 : i32
    %sign3A_16 = arith.extui %sign3A_15 : i1 to i32
    %sign3A_17 = arith.constant 0 : i32
    %sign3A_18 = arith.cmpi slt, %jit3A, %sign3A_17 : i32
    %sign3A_19 = arith.extui %sign3A_18 : i1 to i32
    %sign3A_20 = arith.subi %sign3A_16, %sign3A_19 : i32
    %ne3A = vector.broadcast %sign3A_20 : i32 to vector<512x800xi32>
    %ne3A_21 = arith.cmpi ne, %sign3A_13, %ne3A : vector<512x800xi32>
    %rem3A = vector.broadcast %jit3A : i32 to vector<512x800xi32>
    %rem3A_22 = arith.remsi %iota3A, %rem3A : vector<512x800xi32>
    %ne3A_23 = arith.constant 0 : i32
    %ne3A_24 = vector.broadcast %ne3A_23 : i32 to vector<512x800xi32>
    %ne3A_25 = arith.cmpi ne, %rem3A_22, %ne3A_24 : vector<512x800xi32>
    %and3A = arith.andi %ne3A_21, %ne3A_25 : vector<512x800xi1>
    %sub3A = arith.constant 1 : i32
    %sub3A_26 = vector.broadcast %sub3A : i32 to vector<512x800xi32>
    %sub3A_27 = arith.subi %div3A_5, %sub3A_26 : vector<512x800xi32>
    %select_n3A = arith.select %and3A, %sub3A_27, %div3A_5 : vector<512x800xi1>, vector<512x800xi32>
    %lt3A = vector.broadcast %convert_element_type3A : vector<512x1xi32> to vector<512x800xi32>
    %lt3A_28 = arith.cmpi slt, %select_n3A, %lt3A : vector<512x800xi32>
    %convert_element_type3A_29 = arith.extui %lt3A_28 : vector<512x800xi1> to vector<512x800xi32>
    %convert_element_type3A_30 = arith.sitofp %convert_element_type3A_29 : vector<512x800xi32> to vector<512x800xf32>
    %get3A_31 = arith.constant 0 : index
    %get3A_32 = arith.constant 0 : index
    %get3A_33 = vector.load %arg3[%get3A_31, %get3A_32] : memref<512x800xf32, #tpu.memory_space<vmem>>, vector<512x800xf32>
    %mul3A = arith.mulf %get3A_33, %convert_element_type3A_30 : vector<512x800xf32>
    %get3A_34 = arith.constant 0 : index
    %get3A_35 = arith.constant 0 : index
    %get3A_36 = vector.load %arg4[%get3A_34, %get3A_35] : memref<800x16xf32, #tpu.memory_space<vmem>>, vector<800x16xf32>
    %dot_general3A = arith.constant dense<0.000000e+00> : vector<512x16xf32>
    %dot_general3A_37 = tpu.matmul %mul3A, %get3A_36, %dot_general3A {dimension_numbers = #tpu.dot_dimension_numbers<[1], [0], [0], [1], [0, 0, 1, 1], [], []>, transpose_lhs_hint = false} : vector<512x800xf32>, vector<800x16xf32>, vector<512x16xf32> -> vector<512x16xf32>
    %get3A_38 = arith.constant 0 : index
    %get3A_39 = arith.constant 0 : index
    %get3A_40 = vector.load %arg5[%get3A_38, %get3A_39] : memref<445x128xf32, #tpu.memory_space<vmem>>, vector<13x128xf32>
    %dot_general3A_41 = arith.constant dense<0.000000e+00> : vector<512x128xf32>
    %dot_general3A_42 = tpu.matmul %get3A_1, %get3A_40, %dot_general3A_41 {dimension_numbers = #tpu.dot_dimension_numbers<[1], [0], [0], [1], [0, 0, 1, 1], [], []>, transpose_lhs_hint = false} : vector<512x13xf32>, vector<13x128xf32>, vector<512x128xf32> -> vector<512x128xf32>
    %get3A_43 = arith.constant 0 : index
    %get3A_44 = arith.constant 0 : index
    %get3A_45 = vector.load %arg2[%get3A_43, %get3A_44] : memref<512x416xf32, #tpu.memory_space<vmem>>, vector<512x416xf32>
    %get3A_46 = arith.constant 13 : index
    %get3A_47 = arith.constant 0 : index
    %get3A_48 = vector.load %arg5[%get3A_46, %get3A_47] : memref<445x128xf32, #tpu.memory_space<vmem>>, vector<416x128xf32>
    %dot_general3A_49 = arith.constant dense<0.000000e+00> : vector<512x128xf32>
    %dot_general3A_50 = tpu.matmul %get3A_45, %get3A_48, %dot_general3A_49 {dimension_numbers = #tpu.dot_dimension_numbers<[1], [0], [0], [1], [0, 0, 1, 1], [], []>, transpose_lhs_hint = false} : vector<512x416xf32>, vector<416x128xf32>, vector<512x128xf32> -> vector<512x128xf32>
    %get3A_51 = arith.constant 429 : index
    %get3A_52 = arith.constant 0 : index
    %get3A_53 = vector.load %arg5[%get3A_51, %get3A_52] : memref<445x128xf32, #tpu.memory_space<vmem>>, vector<16x128xf32>
    %dot_general3A_54 = arith.constant dense<0.000000e+00> : vector<512x128xf32>
    %dot_general3A_55 = tpu.matmul %dot_general3A_37, %get3A_53, %dot_general3A_54 {dimension_numbers = #tpu.dot_dimension_numbers<[1], [0], [0], [1], [0, 0, 1, 1], [], []>, transpose_lhs_hint = false} : vector<512x16xf32>, vector<16x128xf32>, vector<512x128xf32> -> vector<512x128xf32>
    %add3A = arith.addf %dot_general3A_42, %dot_general3A_50 : vector<512x128xf32>
    %add3A_56 = arith.addf %add3A, %dot_general3A_55 : vector<512x128xf32>
    %get3A_57 = arith.constant 0 : index
    %get3A_58 = arith.constant 0 : index
    %get3A_59 = vector.load %arg6[%get3A_57, %get3A_58] : memref<1x128xf32, #tpu.memory_space<vmem>>, vector<1x128xf32>
    %add3A_60 = vector.broadcast %get3A_59 : vector<1x128xf32> to vector<512x128xf32>
    %add3A_61 = arith.addf %add3A_56, %add3A_60 : vector<512x128xf32>
    %max3A = arith.constant 0.000000e+00 : f32
    %max3A_62 = vector.broadcast %max3A : f32 to vector<512x128xf32>
    %max3A_63 = arith.maximumf %add3A_61, %max3A_62 : vector<512x128xf32>
    %get3A_64 = arith.constant 0 : index
    %get3A_65 = arith.constant 0 : index
    %get3A_66 = vector.load %arg7[%get3A_64, %get3A_65] : memref<128x64xf32, #tpu.memory_space<vmem>>, vector<128x64xf32>
    %dot_general3A_67 = arith.constant dense<0.000000e+00> : vector<512x64xf32>
    %dot_general3A_68 = tpu.matmul %max3A_63, %get3A_66, %dot_general3A_67 {dimension_numbers = #tpu.dot_dimension_numbers<[1], [0], [0], [1], [0, 0, 1, 1], [], []>, transpose_lhs_hint = false} : vector<512x128xf32>, vector<128x64xf32>, vector<512x64xf32> -> vector<512x64xf32>
    %get3A_69 = arith.constant 0 : index
    %get3A_70 = arith.constant 0 : index
    %get3A_71 = vector.load %arg8[%get3A_69, %get3A_70] : memref<1x64xf32, #tpu.memory_space<vmem>>, vector<1x64xf32>
    %add3A_72 = vector.broadcast %get3A_71 : vector<1x64xf32> to vector<512x64xf32>
    %add3A_73 = arith.addf %dot_general3A_68, %add3A_72 : vector<512x64xf32>
    %max3A_74 = arith.constant 0.000000e+00 : f32
    %max3A_75 = vector.broadcast %max3A_74 : f32 to vector<512x64xf32>
    %max3A_76 = arith.maximumf %add3A_73, %max3A_75 : vector<512x64xf32>
    %get3A_77 = arith.constant 0 : index
    %get3A_78 = arith.constant 0 : index
    %get3A_79 = vector.load %arg9[%get3A_77, %get3A_78] : memref<64x3xf32, #tpu.memory_space<vmem>>, vector<64x3xf32>
    %dot_general3A_80 = arith.constant dense<0.000000e+00> : vector<512x3xf32>
    %dot_general3A_81 = tpu.matmul %max3A_76, %get3A_79, %dot_general3A_80 {dimension_numbers = #tpu.dot_dimension_numbers<[1], [0], [0], [1], [0, 0, 1, 1], [], []>, transpose_lhs_hint = false} : vector<512x64xf32>, vector<64x3xf32>, vector<512x3xf32> -> vector<512x3xf32>
    %slice3A = vector.extract_strided_slice %dot_general3A_81 {offsets = [0, 0], sizes = [512, 2], strides = [1, 1]} : vector<512x3xf32> to vector<512x2xf32>
    %slice3A_82 = vector.extract_strided_slice %dot_general3A_81 {offsets = [0, 2], sizes = [512, 1], strides = [1, 1]} : vector<512x3xf32> to vector<512x1xf32>
    %swap3A = arith.constant 0 : index
    %swap3A_83 = arith.constant 0 : index
    %swap3A_84 = vector.load %arg12[%swap3A, %swap3A_83] : memref<512x2xf32, #tpu.memory_space<vmem>>, vector<512x2xf32>
    tpu.vector_store %arg12[%swap3A, %swap3A_83], %slice3A {strides = array<i32>} : memref<512x2xf32, #tpu.memory_space<vmem>>, vector<512x2xf32>,
    %swap3A_85 = arith.constant 0 : index
    %swap3A_86 = arith.constant 0 : index
    %swap3A_87 = vector.load %arg13[%swap3A_85, %swap3A_86] : memref<512x1xf32, #tpu.memory_space<vmem>>, vector<512x1xf32>
    tpu.vector_store %arg13[%swap3A_85, %swap3A_86], %slice3A_82 {strides = array<i32>} : memref<512x1xf32, #tpu.memory_space<vmem>>, vector<512x1xf32>,
    %reduce_max3A = arith.constant dense<0xFF800000> : vector<512xf32>
    %reduce_max3A_88 = vector.multi_reduction <maximumf>, %slice3A, %reduce_max3A [1] : vector<512x2xf32> to vector<512xf32>
    %broadcast_in_dim3A = vector.shape_cast %reduce_max3A_88 : vector<512xf32> to vector<512x1xf32>
    %sub3A_89 = vector.broadcast %broadcast_in_dim3A : vector<512x1xf32> to vector<512x2xf32>
    %sub3A_90 = arith.subf %slice3A, %sub3A_89 : vector<512x2xf32>
    %exp3A = math.exp %sub3A_90 : vector<512x2xf32>
    %reduce_sum3A = arith.constant dense<0.000000e+00> : vector<512xf32>
    %reduce_sum3A_91 = vector.multi_reduction <add>, %exp3A, %reduce_sum3A [1] : vector<512x2xf32> to vector<512xf32>
    %broadcast_in_dim3A_92 = vector.shape_cast %reduce_sum3A_91 : vector<512xf32> to vector<512x1xf32>
    %div3A_93 = vector.broadcast %broadcast_in_dim3A_92 : vector<512x1xf32> to vector<512x2xf32>
    %div3A_94 = arith.divf %exp3A, %div3A_93 : vector<512x2xf32>
    %swap3A_95 = arith.constant 0 : index
    %swap3A_96 = arith.constant 0 : index
    %swap3A_97 = vector.load %arg10[%swap3A_95, %swap3A_96] : memref<512x2xf32, #tpu.memory_space<vmem>>, vector<512x2xf32>
    tpu.vector_store %arg10[%swap3A_95, %swap3A_96], %div3A_94 {strides = array<i32>} : memref<512x2xf32, #tpu.memory_space<vmem>>, vector<512x2xf32>,
    %swap3A_98 = arith.constant 0 : index
    %swap3A_99 = arith.constant 0 : index
    %swap3A_100 = vector.load %arg11[%swap3A_98, %swap3A_99] : memref<512x1xf32, #tpu.memory_space<vmem>>, vector<512x1xf32>
    tpu.vector_store %arg11[%swap3A_98, %swap3A_99], %slice3A_82 {strides = array<i32>} : memref<512x1xf32, #tpu.memory_space<vmem>>, vector<512x1xf32>,
    return
  }
  func.func @transform_0(%arg0: i32) -> (i32, i32) {
    %c0_i32 = arith.constant 0 : i32
    %c0_i32_0 = arith.constant 0 : i32
    return %arg0, %c0_i32 : i32, i32
  }
  func.func @transform_1(%arg0: i32) -> (i32, i32) {
    %c0_i32 = arith.constant 0 : i32
    %c0_i32_0 = arith.constant 0 : i32
    return %arg0, %c0_i32 : i32, i32
  }
  func.func @transform_2(%arg0: i32) -> (i32, i32) {
    %c0_i32 = arith.constant 0 : i32
    %c0_i32_0 = arith.constant 0 : i32
    return %arg0, %c0_i32 : i32, i32
  }
  func.func @transform_3(%arg0: i32) -> (i32, i32) {
    %c0_i32 = arith.constant 0 : i32
    %c0_i32_0 = arith.constant 0 : i32
    %c0_i32_1 = arith.constant 0 : i32
    return %c0_i32, %c0_i32_0 : i32, i32
  }
  func.func @transform_4(%arg0: i32) -> (i32, i32) {
    %c0_i32 = arith.constant 0 : i32
    %c0_i32_0 = arith.constant 0 : i32
    %c0_i32_1 = arith.constant 0 : i32
    return %c0_i32, %c0_i32_0 : i32, i32
  }
  func.func @transform_5(%arg0: i32) -> (i32, i32) {
    %c0_i32 = arith.constant 0 : i32
    %c0_i32_0 = arith.constant 0 : i32
    %c0_i32_1 = arith.constant 0 : i32
    return %c0_i32, %c0_i32_0 : i32, i32
  }
  func.func @transform_6(%arg0: i32) -> (i32, i32) {
    %c0_i32 = arith.constant 0 : i32
    %c0_i32_0 = arith.constant 0 : i32
    %c0_i32_1 = arith.constant 0 : i32
    return %c0_i32, %c0_i32_0 : i32, i32
  }
  func.func @transform_7(%arg0: i32) -> (i32, i32) {
    %c0_i32 = arith.constant 0 : i32
    %c0_i32_0 = arith.constant 0 : i32
    %c0_i32_1 = arith.constant 0 : i32
    return %c0_i32, %c0_i32_0 : i32, i32
  }
  func.func @transform_8(%arg0: i32) -> (i32, i32) {
    %c0_i32 = arith.constant 0 : i32
    %c0_i32_0 = arith.constant 0 : i32
    %c0_i32_1 = arith.constant 0 : i32
    return %c0_i32, %c0_i32_0 : i32, i32
  }
  func.func @transform_9(%arg0: i32) -> (i32, i32) {
    %c0_i32 = arith.constant 0 : i32
    %c0_i32_0 = arith.constant 0 : i32
    return %arg0, %c0_i32 : i32, i32
  }
  func.func @transform_10(%arg0: i32) -> (i32, i32) {
    %c0_i32 = arith.constant 0 : i32
    %c0_i32_0 = arith.constant 0 : i32
    return %arg0, %c0_i32 : i32, i32
  }
  func.func @transform_11(%arg0: i32) -> (i32, i32) {
    %c0_i32 = arith.constant 0 : i32
    %c0_i32_0 = arith.constant 0 : i32
    return %arg0, %c0_i32 : i32, i32
  }
  func.func @transform_12(%arg0: i32) -> (i32, i32) {
    %c0_i32 = arith.constant 0 : i32
    %c0_i32_0 = arith.constant 0 : i32
    return %arg0, %c0_i32 : i32, i32
  }
}

</mosaic_0001>

<sc_bundles>
// kernel: kernel.5.cloned.1.call-start
scs
__scs_entry_jumppad:
0x0: {  	(pc) =	sbr.rel $0x88, $3  }
0x1: {  	(tag) =	ssettag $0x0;
	lr =	simm.s32 $0x1  }
0x2: {  	[smem:$0x3F94] =	sst lr;
	_ =	strace $0xD0000000  }
0x3: {  	_ = 	snop  }
0x4: {  	_ = 	snop  }
0x5: {  	_ = 	snop  }
0x6: {  	_ = 	snop  }
0x7: {  	_ = 	snop  }
__scs_overlays_trampoline_lowered:
0x8: {  	[smem:$0x3FA3] =	sst s0  }
0x9: {  	[smem:$0x3FA4] =	sst s1  }
0xa: {  	[smem:$0x3FA5] =	sst s2  }
0xb: {  	[smem:$0x3FA6] =	sst s3  }
0xc: {  	[smem:$0x3FA7] =	sst s4  }
0xd: {  	[smem:$0x3FA8] =	sst s5  }
0xe: {  	[smem:$0x3FA9] =	sst s6  }
0xf: {  	[smem:$0x3FAA] =	sst s7  }
0x10: {  	[smem:$0x3FAB] =	sst s8  }
0x11: {  	[smem:$0x3FAC] =	sst s9;
	s0 =	simm.s32 @!p0 $0x0  }
0x12: {  	s1 =	sld [smem:$0x3F92];
	s0 =	simm.s32 @p0 $0x1  }
0x13: {  	[smem:$0x3FAD] =	sst s0;
	s0 =	simm.s32 @!p1 $0x0  }
0x14: {  	s2 =	sld [smem:$0x3F91];
	s0 =	simm.s32 @p1 $0x1  }
0x15: {  	[smem:$0x3FAE] =	sst s0;
	s0 =	simm.s32 @!p2 $0x0  }
0x16: {  	s3 =	sld [smem:$0x3FDB];
	s0 =	simm.s32 @p2 $0x1  }
0x17: {  	s4 =	simm.s32 $0x1BF5;
	[smem:$0x3FB0] =	sst s0  }
0x18: {  	s0 =	sld [smem:$0x3F93];
	_ =	swait.ge [sflag:s4], $0x0  }
0x19: {  	s7 =	sld [smem:$0x3F94]  }
0x1a: {  	s8 =	sadd.s32 $0xFFFFE003, lr  }
0x1b: {  	s9 =	sadd.s32 $0xFFFFFEF7, lr;
	s5 =	simm.s32 $0xFFFFFFFF;
	p2 =	slt.u32 s8, $0xFFFFF086  }
0x1c: {  	p1 =	slt.u32 s9, $0xF7A;
	s5 =	simm.s32 @!p2 $0x0  }
0x1d: {  	s5 =	simm.s32 @p1 $0x1;
	p0 =	seq.s32 s7, s2  }
0x1e: {  	s7 =	smul.u32 @!p0 $0xF7A, s2;
	p2 =	seq.s32 @!p0 s5, $0x0  }
0x1f: {  	s9 =	smul.u32 $0xF7A, s1;
	s8 =	simm.s32 @!p0 $0x1BF5;
	p2 =	por !p2, p0  }
0x20: {  	[sflag:s8] =	ssyncset.s32 @!p0 $0xFFFFF086;
	s6 =	sadd.s32 @!p0 s3, s7;
	s7 =	simm.s32 @!p0 $0x108  }
0x21: {  	s3 =	sadd.s32 s3, s9;
	s6 =	sadd.s32 @!p0 $0x88, s6;
	s7 =	simm.s32 @p2 $0x1082  }
0x22: {  	[simem:s7], [sflag:s8] =	dma.local @!p0 [hbm:s6], $0xF7A  }
0x23: {  	s9 =	sor.u32 $0xD0000000, s2;
	s6 =	simm.s32 $0x108;
	_ =	swait.ge @!p0 [sflag:s8], $0x0  }
0x24: {  	s3 =	sadd.s32 $0x88, s3;
	s6 =	simm.s32 @!p1 $0x1082;
	[sflag:s4] =	ssyncset.s32 $0xFFFFF086  }
0x25: {  	[simem:s6], [sflag:s4] =	dma.local [hbm:s3], $0xF7A  }
0x26: {  	[smem:$0x3F94] =	sst s1;
	(tag) =	ssettag s2;
	_ =	strace s9  }
0x27: {  	s1 =	sld [smem:$0x3FA4]  }
0x28: {  	s2 =	sld [smem:$0x3FA5]  }
0x29: {  	s4 =	sld [smem:$0x3FA7]  }
0x2a: {  	p0 =	seq.s32 s5, $0x0;
	s5 =	sld [smem:$0x3FA8]  }
0x2b: {  	s6 =	sld [smem:$0x3FA9]  }
0x2c: {  	s7 =	sld [smem:$0x3FAA]  }
0x2d: {  	s3 =	simm.s32 $0x108;
	s8 =	sld [smem:$0x3FAB]  }
0x2e: {  	s3 =	simm.s32 @!p0 $0x1082;
	s9 =	sld [smem:$0x3FAC]  }
0x2f: {  	lr =	sadd.s32 s0, s3;
	s0 =	sld [smem:$0x3FA3]  }
0x30: {  	s3 =	sld [smem:$0x3FA6]  }
0x31: {  	[smem:$0x3FAF] =	sst s10  }
0x32: {  	s10 =	sld [smem:$0x3FAD];
	_ =	sdelay $0x3  }
0x33: {  	p0 =	seq.s32 s10, $0x1;
	s10 =	sld [smem:$0x3FAF];
	_ =	sdelay $0x3  }
0x34: {  	[smem:$0x3FAF] =	sst s10  }
0x35: {  	s10 =	sld [smem:$0x3FAE];
	_ =	sdelay $0x3  }
0x36: {  	p1 =	seq.s32 s10, $0x1;
	s10 =	sld [smem:$0x3FAF];
	_ =	sdelay $0x3  }
0x37: {  	[smem:$0x3FAF] =	sst s10  }
0x38: {  	s10 =	sld [smem:$0x3FB0]  }
0x39: {  	_ = 	snop;
	(pc) =	sbr.ind lr, $3  }
0x3a: {  	_ = 	snop  }
0x3b: {  	_ = 	snop  }
0x3c: {  	p2 =	seq.s32 s10, $0x1;
	s10 =	sld [smem:$0x3FAF]  }
0x3d: {  	_ =	shalt  }
0x3e: {  	_ =	shalt  }
0x3f: {  	_ =	shalt  }
0x40: {  	_ =	shalt  }
0x41: {  	_ =	shalt  }
0x42: {  	_ =	shalt  }
0x43: {  	_ =	shalt  }
0x44: {  	_ =	shalt  }
0x45: {  	_ =	shalt  }
0x46: {  	_ =	shalt  }
0x47: {  	_ =	shalt  }
0x48: {  	_ =	shalt  }
0x49: {  	_ =	shalt  }
0x4a: {  	_ =	shalt  }
0x4b: {  	_ =	shalt  }
0x4c: {  	_ =	shalt  }
0x4d: {  	_ =	shalt  }
0x4e: {  	_ =	shalt  }
0x4f: {  	_ =	shalt  }
0x50: {  	_ =	shalt  }
0x51: {  	_ =	shalt  }
0x52: {  	_ =	shalt  }
0x53: {  	_ =	shalt  }
0x54: {  	_ =	shalt  }
0x55: {  	_ =	shalt  }
0x56: {  	_ =	shalt  }
0x57: {  	_ =	shalt  }
0x58: {  	_ =	shalt  }
0x59: {  	_ =	shalt  }
0x5a: {  	_ =	shalt  }
0x5b: {  	_ =	shalt  }
0x5c: {  	_ =	shalt  }
0x5d: {  	_ =	shalt  }
0x5e: {  	_ =	shalt  }
0x5f: {  	_ =	shalt  }
0x60: {  	_ =	shalt  }
0x61: {  	_ =	shalt  }
0x62: {  	_ =	shalt  }
0x63: {  	_ =	shalt  }
0x64: {  	_ =	shalt  }
0x65: {  	_ =	shalt  }
0x66: {  	_ =	shalt  }
0x67: {  	_ =	shalt  }
0x68: {  	_ =	shalt  }
0x69: {  	_ =	shalt  }
0x6a: {  	_ =	shalt  }
0x6b: {  	_ =	shalt  }
0x6c: {  	_ =	shalt  }
0x6d: {  	_ =	shalt  }
0x6e: {  	_ =	shalt  }
0x6f: {  	_ =	shalt  }
0x70: {  	_ =	shalt  }
0x71: {  	_ =	shalt  }
0x72: {  	_ =	shalt  }
0x73: {  	_ =	shalt  }
0x74: {  	_ =	shalt  }
0x75: {  	_ =	shalt  }
0x76: {  	_ =	shalt  }
0x77: {  	_ =	shalt  }
0x78: {  	_ =	shalt  }
0x79: {  	_ =	shalt  }
0x7a: {  	_ =	shalt  }
0x7b: {  	_ =	shalt  }
0x7c: {  	_ =	shalt  }
0x7d: {  	_ =	shalt  }
0x7e: {  	_ =	shalt  }
0x7f: {  	_ =	shalt  }
0x80: {  	_ =	shalt  }
0x81: {  	_ =	shalt  }
0x82: {  	_ =	shalt  }
0x83: {  	_ =	shalt  }
0x84: {  	_ =	shalt  }
0x85: {  	_ =	shalt  }
0x86: {  	_ =	shalt  }
0x87: {  	_ =	shalt  }
.Lfunc_end0:
.L_simem_size_0:
called_computation_lowered:
.L_overlay_start_0:
0x88: {  	s2 =	sld [smem:$0x3FD9]  }
0x89: {  	s3 =	sld [smem:$0x3FFE];
	_ =	sdelay $0x1  }
0x8a: {  	s1 =	srdreg.scid  }
0x8b: {  	s0 =	sand.u32 $0x1, s1  }
0x8c: {  	s17 =	sshll.u32 s0, $0xA;
	s2 =	sadd.s32 s3, s2  }
0x8d: {  	s2 =	sadd.s32 s2, s17  }
0x8e: {  	[smem:$0x3FBB] =	sst s2  }
0x8f: {  	_ = 	snop  }
0x90: {  	(tm) =	ssettm $0x1  }
0x91: {  	s18 =	sld [smem:$0x3FFB];
	_ =	sdelay $0x3  }
0x92: {  	_ =	strace s18  }
0x93: {  	s2 =	sld [smem:$0x3FFC];
	_ =	sdelay $0x3  }
0x94: {  	_ =	strace s2  }
0x95: {  	s2 =	sld [smem:$0x3FFD];
	_ =	sdelay $0x3  }
0x96: {  	_ =	strace s2  }
0x97: {  	_ =	strace $0x8FFFFFFF  }
0x98: {  	s19 =	sld [smem:$0x3FDB];
	_ =	sdelay $0x1  }
0x99: {  	s20 =	simm.s32 $_scs_section_size  }
0x9a: {  	s4 =	simm.s32 $_size__tile_overlayer_lowered;
	s5 =	simm.s32 $_tile_overlayer_lowered  }
0x9b: {  	s6 =	simm.s32 $0x1BFF;
	s21 =	sshll.u32 s5, $0x1;
	s3 =	sadd.s32 s20, s19  }
0x9c: {  	s22 =	simm.s32 $0x0;
	s4 =	sshll.u32 s4, $0x1;
	s5 =	sadd.s32 s21, s3  }
0x9d: {  	[timem:s22], [sflag:s6] =	dma.local [hbm:s5], s4  }
0x9e: {  	_ =	swait.ge [sflag:s6], s4  }
0x9f: {  	s4 =	ssub.s32 $0x0, s4;
	[sflag:s6] =	ssyncset.done $0x0  }
0xa0: {  	[sflag:s6] =	ssyncadd.s32 s4;
	_ =	sdelay $0x1  }
0xa1: {  	s23 =	simm.s32 $0x1B8B  }
0xa2: {  	_ =	swait.ge [sflag:s23], $0x1  }
0xa3: {  	[sflag:s23] =	ssyncset.done $0x0  }
0xa4: {  	[sflag:s23] =	ssyncadd.s32 $0xFFFFFFFF  }
0xa5: {  	s4 =	sld [smem:$0x0]  }
0xa6: {  	s5 =	sand.u32 $0xFFFFFFFE, s1  }
0xa7: {  	p0 =	sne.s32 s1, s5  }
0xa8: {  	s5 =	sshll.u32 @p0 s5, $0xE  }
0xa9: {  	s5 =	sadd.s32 @p0 $0x11B8D, s5;
	s6 =	sshll.u32 @p0 s4, $0x11  }
0xaa: {  	s5 =	sor.u32 @p0 s6, s5  }
0xab: {  	[sflag:s5] =	ssyncadd.remote.s32 @p0 $0x1;
	_ =	sdelay $0x1  }
0xac: {  	s5 =	simm.s32 @p0 $0x1B8D  }
0xad: {  	_ =	swait.eq @p0 [sflag:s5], $0x1  }
0xae: {  	[sflag:s5] =	ssyncadd.s32 @p0 $0xFFFFFFFF  }
0xaf: {  	s6 =	sshll.u32 @!p0 s1, $0xE  }
0xb0: {  	s6 =	sor.u32 @!p0 $0x4000, s6;
	s5 =	simm.s32 @!p0 $0x1B8D  }
0xb1: {  	s4 =	sshll.u32 @!p0 s4, $0x11;
	s6 =	sadd.s32 @!p0 $0x11B8D, s6;
	_ =	swait.eq @!p0 [sflag:s5], $0x1  }
0xb2: {  	s4 =	sor.u32 @!p0 s4, s6;
	[sflag:s5] =	ssyncadd.s32 @!p0 $0xFFFFFFFF  }
0xb3: {  	s25 =	simm.s32 $0x1B8E;
	s24 =	sld [smem:$0x3FFE];
	[sflag:s4] =	ssyncadd.remote.s32 @!p0 $0x1  }
0xb4: {  	s26 =	simm.s32 $execute0_lowered;
	[smem:$0x3FD2] =	sst s25  }
0xb5: {  	s5 =	sshll.u32 s26, $0x1;
	_ =	strace $0x80000049;
	[dreg:$0x1] =	wrdreg $0xFFFFFFFF  }
0xb6: {  	s28 =	simm.s32 $_size_execute0_lowered;
	s3 =	sadd.s32 s3, s5;
	[dreg:$0x0] =	wrdreg $0x0  }
0xb7: {  	s5 =	sshll.u32 s28, $0x1;
	[dreg:$0x2] =	wrdreg s3  }
0xb8: {  	[dreg:$0x3] =	wrdreg s5  }
0xb9: {  	[dreg:$0x4] =	wrdreg $0xC0  }
0xba: {  	_ =	task [dreg:s22], $0x5FFFF  }
0xbb: {  	[dreg:$0x1] =	wrdreg $0xFFFFFFFF  }
0xbc: {  	[dreg:$0x0] =	wrdreg $0x60  }
0xbd: {  	[dreg:$0x2] =	wrdreg s24  }
0xbe: {  	[dreg:$0x3] =	wrdreg $0x9  }
0xbf: {  	_ =	task.clear_ibuf [dreg:s22], $0x4FFFF;
	_ =	strace $0x90000049  }
0xc0: {  	s29 =	simm.s32 $0x9;
	_ =	strace $0x8000004B  }
0xc1: {  	_ =	swait.ge [sflag:s29], $0x1  }
0xc2: {  	[sflag:s29] =	ssyncadd.s32 $0xFFFFFFFF  }
0xc3: {  	_ =	strace $0x9000004B  }
0xc4: {  	_ =	sfence  }
0xc5: {  	s30 =	sld [smem:$0x0];
	_ =	sdelay $0x2  }
0xc6: {  	s31 =	sshll.u32 s1, $0xD;
	s1 =	sshrl.u32 s1, $0x2  }
0xc7: {  	s4 =	sand.u32 $0x4000, s31;
	s1 =	sadd.s32 s1, s30  }
0xc8: {  	s0 =	sor.u32 s4, s0;
	s1 =	sshll.u32 s1, $0x11  }
0xc9: {  	s0 =	sor.u32 s1, s0  }
0xca: {  	s0 =	sadd.s32 $0x8F2B, s0  }
0xcb: {  	[sflag:s0] =	ssyncadd.remote.s32 $0x1  }
0xcc: {  	_ =	sfence.sel $0xFFFF  }
0xcd: {  	[dreg:$0x0] =	wrdreg $0xFFFFFFFF;
	(pc) =	sbr.abs _section_cstart, $3  }
0xce: {  	[dreg:$0x1] =	wrdreg $0xFFFFFFFF  }
0xcf: {  	_ =	task.clear_ibuf [dreg:s22], $0x2FFFF;
	_ =	strace $0x9FFFFFFF  }
0xd0: {  	(tm) =	ssettm $0x7FFFFFFF  }
0xd1: {  	_ =	shalt  }
tec
execute0_lowered:
.L_overlay_start_1:
0x0: {  	(tag) =	ssettag $0x1  }
0x1: {  	s1 =	srdreg.scid  }
0x2: {  	s0 =	stileid.u32;
	s4 =	rddreg [dreg:$0x0]  }
0x3: {  	s2 =	simm.s32 $0x0;
	s9 =	simm.s32 $0x2800;
	s10 =	simm.s32 $0x4100  }
0x4: {  	s11 =	simm.s32 $0x1;
	s3 =	sand.u32 $0x1, s1;
	s31 =	sshll.u32 s0, $0x1  }
0x5: {  	s12 =	simm.s32 $0x0;
	s1 =	rddreg [dreg:$0x1];
	s5 =	sor.u32 s3, s31  }
0x6: {  	[smem:$0x7FF] =	sst s2;
	s7 =	ssub.s32 $0x2, s3;
	s6 =	smul.u32 $0x500, s5  }
0x7: {  	_ =	strace $0x8000004A;
	s5 =	smul.u32 $0x3200, s5;
	s8 =	sshrl.u32 s7, $0x1  }
0x8: {  	s3 =	sadd.s32 $0x6CCA00, s4;
	s7 =	ssub.s32 s7, s8;
	s6 =	sadd.s32 s6, s4  }
0x9: {  	s8 =	simm.s32 $0x1900;
	s5 =	sadd.s32 s5, s4;
	s4 =	sadd.s32 $0x12600, s6  }
0xa: {  	v0 =	vimm.s32 $0x0;
	s5 =	sadd.s32 $0x546000, s5;
	s6 =	smax.u32 s7, $0x1;
	s7 =	simm.s32 $0x2  }
.LBB2_1:
0xb: {  	v1 =	vlaneseq.u32  }
0xc: {  	v3 =	vmul.u32 $0x50, v0;
	v2 =	vadd.s32 $0x1A, v1  }
0xd: {  	v4 =	vadd.s32 $0x10, v1;
	v5 =	vand.u32 $0xFFFFFFF8, v2  }
0xe: {  	v2 =	vand.u32 $0x7, v2;
	vm0 =	vgt.s32 v4, $0x31;
	v3 =	vadd.s32 v3, v5  }
0xf: {  	v1 =	vadd.s32 $0xFFFFFFDE, v1;
	v5 =	vsel vm0, $0x1, v0;
	v2 =	vor.u32 v2, v3  }
0x10: {  	[tilespmem:s2], [sflag:$0x2] =	stream.linear.gather [hbm4b:s4+s2], $0x2800, $0x38;
	v3 =	vsel vm0, v1, v4;
	v1 =	vadd.s32 v5, v0;
	[tilespmem:$0x1D100] =	vst v63  }
0x11: {  	_ =	swait.ge [sflag:s7], $0x2800;
	v4 =	vadd.s32 $0x1A, v3;
	v5 =	vmul.u32 $0x50, v1  }
0x12: {  	[sflag:s7] =	ssyncset.done $0x0;
	v6 =	vand.u32 $0xFFFFFFF8, v4  }
0x13: {  	[sflag:s7] =	ssyncadd.s32 $0xFFFFD800;
	v4 =	vand.u32 $0x7, v4;
	v5 =	vadd.s32 v5, v6  }
0x14: {  	v7 =	vadd.s32 $0xFFFFFFDE, v3;
	v6 =	vadd.s32 $0x10, v3;
	v3 =	vor.u32 v4, v5;
	v4 =	vld.idx.msk [tilespmem:v2+s2+$0x0], $0xffff;
	_ =	sdelay $0x1  }
0x15: {  	s15 =	simm.s32 $0x40;
	s13 =	simm.s32 $0x80;
	vm15 =	vgt.s32 v6, $0x31  }
0x16: {  	s14 =	simm.s32 $0xC0;
	s16 =	simm.s32 $0x100;
	s17 =	simm.s32 $0x0;
	v2 =	vsel vm15, v7, v6;
	v5 =	vsel vm15, $0x1, v0  }
.LBB2_2:
0x17: {  	p0 =	sne.s32 s16, $0x63C0;
	v6 =	vadd.s32 $0x1A, v2;
	v1 =	vadd.s32 v5, v1;
	s18 =	sshra.s32 s17, $0x2;
	s17 =	smov.u32 s15  }
0x18: {  	s15 =	smov.u32 s13;
	s13 =	smov.u32 s14;
	s14 =	smov.u32 s16;
	v5 =	vand.u32 $0xFFFFFFF8, v6;
	v6 =	vand.u32 $0x7, v6;
	v7 =	vmul.u32 $0x50, v1;
	[tilespmem:s18+$0x2800] =	vst v4  }
.Ltmp0:
0x19: {  	v4 =	vld.idx.msk [tilespmem:v3+s2+$0x0], $0xffff;
	(pc) =	sbr.rel @p0 .LBB2_2-.Ltmp0, $4  }
0x1a: {  	v3 =	vadd.s32 v7, v5  }
0x1b: {  	v5 =	vadd.s32 $0x10, v2;
	v3 =	vor.u32 v6, v3  }
0x1c: {  	v2 =	vadd.s32 $0xFFFFFFDE, v2;
	vm0 =	vgt.s32 v5, $0x31  }
0x1d: {  	s16 =	sadd.s32 $0x40, s16;
	v2 =	vsel vm0, v2, v5;
	v5 =	vsel vm0, $0x1, v0  }
0x1e: {  	_ = 	snop  }
0x1f: {  	v1 =	vadd.s32 v5, v1  }
0x20: {  	v58 =	vadd.s32 $0x1A, v2;
	s16 =	sshra.s32 s17, $0x2;
	v6 =	vmul.u32 $0x50, v1  }
0x21: {  	v7 =	vand.u32 $0xFFFFFFF8, v58;
	[tilespmem:s16+$0x2800] =	vst v4  }
0x22: {  	v61 =	vadd.s32 $0x10, v2;
	v59 =	vand.u32 $0x7, v58;
	v3 =	vld.idx.msk [tilespmem:v3+s2+$0x0], $0xffff;
	v60 =	vadd.s32 v6, v7  }
0x23: {  	vm0 =	vgt.s32 v61, $0x31;
	v4 =	vor.u32 v59, v60  }
0x24: {  	v2 =	vadd.s32 $0xFFFFFFDE, v2;
	v62 =	vsel vm0, $0x1, v0  }
0x25: {  	v2 =	vsel vm0, v2, v61;
	v1 =	vadd.s32 v62, v1  }
0x26: {  	s15 =	sshra.s32 s15, $0x2;
	v2 =	vadd.s32 $0x1A, v2;
	v1 =	vmul.u32 $0x50, v1  }
0x27: {  	v63 =	vand.u32 $0xFFFFFFF8, v2;
	[tilespmem:s15+$0x2800] =	vst v3  }
0x28: {  	v2 =	vand.u32 $0x7, v2;
	v1 =	vadd.s32 v1, v63;
	v3 =	vld.idx.msk [tilespmem:v4+s2+$0x0], $0xffff  }
0x29: {  	v1 =	vor.u32 v2, v1;
	_ =	sdelay $0x2  }
0x2a: {  	s13 =	sshra.s32 s13, $0x2  }
0x2b: {  	[tilespmem:s13+$0x2800] =	vst v3  }
0x2c: {  	v1 =	vld.idx.msk [tilespmem:v1+s2+$0x0], $0xffff;
	_ =	sdelay $0x3  }
0x2d: {  	s31 =	sshra.s32 s14, $0x2  }
0x2e: {  	[tilespmem:s31+$0x2800] =	vst v1  }
0x2f: {  	[tilespmem:s10], [sflag:$0x1] =	stream.indirect.gather [hbm4b:s3+s8], $0x10, s9, s8, $0xb8;
	[tilespmem:$0x1D100] =	vst v63  }
0x30: {  	s12 =	sadd.s32 $0x1, s12;
	_ =	swait.ge [sflag:s11], $0x19000  }
0x31: {  	p0 =	sne.s32 s12, s6;
	[sflag:s11] =	ssyncset.done $0x0  }
.Ltmp1:
0x32: {  	[sflag:s11] =	ssyncadd.s32 $0xFFFE7000;
	(pc) =	sbr.rel @p0 .LBB2_1-.Ltmp1, $4  }
0x33: {  	[hbm4b:s5+s2] =	stream.linear.scatter [tilespmem:s10], [sflag:$0x2], $0x19000, $0x38;
	[tilespmem:$0x1D100] =	vst v63  }
0x34: {  	_ =	swait.ge [sflag:s7], $0x19000  }
0x35: {  	[sflag:s7] =	ssyncset.done $0x0  }
0x36: {  	[sflag:s7] =	ssyncadd.s32 $0xFFFE7000  }
0x37: {  	_ =	sfence.sel $0x180000  }
0x38: {  	[bflag:$0x0] =	sbarrier.arrive $0xFFFF  }
0x39: {  	p0 =	sne.s32 s0, $0x0;
	_ =	strace $0x9000004A  }
0x3a: {  	s0 =	sadd.s32 @!p0 $0x100000, s1;
	[bflag:$0x2] =	sbarrier.arrive $0xFFFF  }
0x3b: {  	[sflag:s0] =	ssyncadd.tile.s32 @!p0 $0x1;
	_ =	shalt  }
.Lfunc_end2:
_tile_overlayer_lowered:
.L_overlay_start_2:
0x3c: {  	(tag) =	ssettag $0x2  }
0x3d: {  	s0 =	rddreg [dreg:$0x0];
	s2 =	stileid.u32  }
0x3e: {  	s1 =	rddreg [dreg:$0x1];
	p0 =	sne.s32 s2, $0x0  }
0x3f: {  	s3 =	rddreg [dreg:$0x2];
	[bflag:$0x3] =	sbarrier.arrive $0xFFFF;
	s2 =	simm.s32 @!p0 $0x1C02  }
0x40: {  	[timem:s3], [sflag:s2] =	dma.local @!p0 [hbm:s0], s1  }
0x41: {  	s0 =	simm.s32 @!p0 $0x2  }
0x42: {  	_ =	swait.ge @!p0 [sflag:s0], s1  }
0x43: {  	s1 =	ssub.s32 @!p0 $0x0, s1;
	[sflag:s0] =	ssyncset.done @!p0 $0x0  }
0x44: {  	[sflag:s0] =	ssyncadd.s32 @!p0 s1  }
0x45: {  	[bflag:$0x3] =	sbarrier.arrive $0xFFFF  }
0x46: {  	_ =	shalt  }

// kernel: kernel.8.cloned.1.call-start
scs
__scs_entry_jumppad:
0x0: {  	(pc) =	sbr.rel $0x88, $3  }
0x1: {  	(tag) =	ssettag $0x0;
	lr =	simm.s32 $0x1  }
0x2: {  	[smem:$0x3F94] =	sst lr;
	_ =	strace $0xD0000000  }
0x3: {  	_ = 	snop  }
0x4: {  	_ = 	snop  }
0x5: {  	_ = 	snop  }
0x6: {  	_ = 	snop  }
0x7: {  	_ = 	snop  }
__scs_overlays_trampoline_lowered:
0x8: {  	[smem:$0x3FA3] =	sst s0  }
0x9: {  	[smem:$0x3FA4] =	sst s1  }
0xa: {  	[smem:$0x3FA5] =	sst s2  }
0xb: {  	[smem:$0x3FA6] =	sst s3  }
0xc: {  	[smem:$0x3FA7] =	sst s4  }
0xd: {  	[smem:$0x3FA8] =	sst s5  }
0xe: {  	[smem:$0x3FA9] =	sst s6  }
0xf: {  	[smem:$0x3FAA] =	sst s7  }
0x10: {  	[smem:$0x3FAB] =	sst s8  }
0x11: {  	[smem:$0x3FAC] =	sst s9;
	s0 =	simm.s32 @!p0 $0x0  }
0x12: {  	s1 =	sld [smem:$0x3F92];
	s0 =	simm.s32 @p0 $0x1  }
0x13: {  	[smem:$0x3FAD] =	sst s0;
	s0 =	simm.s32 @!p1 $0x0  }
0x14: {  	s2 =	sld [smem:$0x3F91];
	s0 =	simm.s32 @p1 $0x1  }
0x15: {  	[smem:$0x3FAE] =	sst s0;
	s0 =	simm.s32 @!p2 $0x0  }
0x16: {  	s3 =	sld [smem:$0x3FDB];
	s0 =	simm.s32 @p2 $0x1  }
0x17: {  	s4 =	simm.s32 $0x1BF5;
	[smem:$0x3FB0] =	sst s0  }
0x18: {  	s0 =	sld [smem:$0x3F93];
	_ =	swait.ge [sflag:s4], $0x0  }
0x19: {  	s7 =	sld [smem:$0x3F94]  }
0x1a: {  	s8 =	sadd.s32 $0xFFFFE003, lr  }
0x1b: {  	s9 =	sadd.s32 $0xFFFFFEF7, lr;
	s5 =	simm.s32 $0xFFFFFFFF;
	p2 =	slt.u32 s8, $0xFFFFF086  }
0x1c: {  	p1 =	slt.u32 s9, $0xF7A;
	s5 =	simm.s32 @!p2 $0x0  }
0x1d: {  	s5 =	simm.s32 @p1 $0x1;
	p0 =	seq.s32 s7, s2  }
0x1e: {  	s7 =	smul.u32 @!p0 $0xF7A, s2;
	p2 =	seq.s32 @!p0 s5, $0x0  }
0x1f: {  	s9 =	smul.u32 $0xF7A, s1;
	s8 =	simm.s32 @!p0 $0x1BF5;
	p2 =	por !p2, p0  }
0x20: {  	[sflag:s8] =	ssyncset.s32 @!p0 $0xFFFFF086;
	s6 =	sadd.s32 @!p0 s3, s7;
	s7 =	simm.s32 @!p0 $0x108  }
0x21: {  	s3 =	sadd.s32 s3, s9;
	s6 =	sadd.s32 @!p0 $0x88, s6;
	s7 =	simm.s32 @p2 $0x1082  }
0x22: {  	[simem:s7], [sflag:s8] =	dma.local @!p0 [hbm:s6], $0xF7A  }
0x23: {  	s9 =	sor.u32 $0xD0000000, s2;
	s6 =	simm.s32 $0x108;
	_ =	swait.ge @!p0 [sflag:s8], $0x0  }
0x24: {  	s3 =	sadd.s32 $0x88, s3;
	s6 =	simm.s32 @!p1 $0x1082;
	[sflag:s4] =	ssyncset.s32 $0xFFFFF086  }
0x25: {  	[simem:s6], [sflag:s4] =	dma.local [hbm:s3], $0xF7A  }
0x26: {  	[smem:$0x3F94] =	sst s1;
	(tag) =	ssettag s2;
	_ =	strace s9  }
0x27: {  	s1 =	sld [smem:$0x3FA4]  }
0x28: {  	s2 =	sld [smem:$0x3FA5]  }
0x29: {  	s4 =	sld [smem:$0x3FA7]  }
0x2a: {  	p0 =	seq.s32 s5, $0x0;
	s5 =	sld [smem:$0x3FA8]  }
0x2b: {  	s6 =	sld [smem:$0x3FA9]  }
0x2c: {  	s7 =	sld [smem:$0x3FAA]  }
0x2d: {  	s3 =	simm.s32 $0x108;
	s8 =	sld [smem:$0x3FAB]  }
0x2e: {  	s3 =	simm.s32 @!p0 $0x1082;
	s9 =	sld [smem:$0x3FAC]  }
0x2f: {  	lr =	sadd.s32 s0, s3;
	s0 =	sld [smem:$0x3FA3]  }
0x30: {  	s3 =	sld [smem:$0x3FA6]  }
0x31: {  	[smem:$0x3FAF] =	sst s10  }
0x32: {  	s10 =	sld [smem:$0x3FAD];
	_ =	sdelay $0x3  }
0x33: {  	p0 =	seq.s32 s10, $0x1;
	s10 =	sld [smem:$0x3FAF];
	_ =	sdelay $0x3  }
0x34: {  	[smem:$0x3FAF] =	sst s10  }
0x35: {  	s10 =	sld [smem:$0x3FAE];
	_ =	sdelay $0x3  }
0x36: {  	p1 =	seq.s32 s10, $0x1;
	s10 =	sld [smem:$0x3FAF];
	_ =	sdelay $0x3  }
0x37: {  	[smem:$0x3FAF] =	sst s10  }
0x38: {  	s10 =	sld [smem:$0x3FB0]  }
0x39: {  	_ = 	snop;
	(pc) =	sbr.ind lr, $3  }
0x3a: {  	_ = 	snop  }
0x3b: {  	_ = 	snop  }
0x3c: {  	p2 =	seq.s32 s10, $0x1;
	s10 =	sld [smem:$0x3FAF]  }
0x3d: {  	_ =	shalt  }
0x3e: {  	_ =	shalt  }
0x3f: {  	_ =	shalt  }
0x40: {  	_ =	shalt  }
0x41: {  	_ =	shalt  }
0x42: {  	_ =	shalt  }
0x43: {  	_ =	shalt  }
0x44: {  	_ =	shalt  }
0x45: {  	_ =	shalt  }
0x46: {  	_ =	shalt  }
0x47: {  	_ =	shalt  }
0x48: {  	_ =	shalt  }
0x49: {  	_ =	shalt  }
0x4a: {  	_ =	shalt  }
0x4b: {  	_ =	shalt  }
0x4c: {  	_ =	shalt  }
0x4d: {  	_ =	shalt  }
0x4e: {  	_ =	shalt  }
0x4f: {  	_ =	shalt  }
0x50: {  	_ =	shalt  }
0x51: {  	_ =	shalt  }
0x52: {  	_ =	shalt  }
0x53: {  	_ =	shalt  }
0x54: {  	_ =	shalt  }
0x55: {  	_ =	shalt  }
0x56: {  	_ =	shalt  }
0x57: {  	_ =	shalt  }
0x58: {  	_ =	shalt  }
0x59: {  	_ =	shalt  }
0x5a: {  	_ =	shalt  }
0x5b: {  	_ =	shalt  }
0x5c: {  	_ =	shalt  }
0x5d: {  	_ =	shalt  }
0x5e: {  	_ =	shalt  }
0x5f: {  	_ =	shalt  }
0x60: {  	_ =	shalt  }
0x61: {  	_ =	shalt  }
0x62: {  	_ =	shalt  }
0x63: {  	_ =	shalt  }
0x64: {  	_ =	shalt  }
0x65: {  	_ =	shalt  }
0x66: {  	_ =	shalt  }
0x67: {  	_ =	shalt  }
0x68: {  	_ =	shalt  }
0x69: {  	_ =	shalt  }
0x6a: {  	_ =	shalt  }
0x6b: {  	_ =	shalt  }
0x6c: {  	_ =	shalt  }
0x6d: {  	_ =	shalt  }
0x6e: {  	_ =	shalt  }
0x6f: {  	_ =	shalt  }
0x70: {  	_ =	shalt  }
0x71: {  	_ =	shalt  }
0x72: {  	_ =	shalt  }
0x73: {  	_ =	shalt  }
0x74: {  	_ =	shalt  }
0x75: {  	_ =	shalt  }
0x76: {  	_ =	shalt  }
0x77: {  	_ =	shalt  }
0x78: {  	_ =	shalt  }
0x79: {  	_ =	shalt  }
0x7a: {  	_ =	shalt  }
0x7b: {  	_ =	shalt  }
0x7c: {  	_ =	shalt  }
0x7d: {  	_ =	shalt  }
0x7e: {  	_ =	shalt  }
0x7f: {  	_ =	shalt  }
0x80: {  	_ =	shalt  }
0x81: {  	_ =	shalt  }
0x82: {  	_ =	shalt  }
0x83: {  	_ =	shalt  }
0x84: {  	_ =	shalt  }
0x85: {  	_ =	shalt  }
0x86: {  	_ =	shalt  }
0x87: {  	_ =	shalt  }
.Lfunc_end0:
.L_simem_size_0:
called_computation.1_lowered:
.L_overlay_start_0:
0x88: {  	s2 =	sld [smem:$0x3FD9]  }
0x89: {  	s3 =	sld [smem:$0x3FFE];
	_ =	sdelay $0x1  }
0x8a: {  	s1 =	srdreg.scid  }
0x8b: {  	s0 =	sand.u32 $0x1, s1  }
0x8c: {  	s16 =	sshll.u32 s0, $0xA;
	s2 =	sadd.s32 s3, s2  }
0x8d: {  	s2 =	sadd.s32 s2, s16  }
0x8e: {  	[smem:$0x3FBB] =	sst s2  }
0x8f: {  	_ = 	snop  }
0x90: {  	(tm) =	ssettm $0x1  }
0x91: {  	s17 =	sld [smem:$0x3FFB];
	_ =	sdelay $0x3  }
0x92: {  	_ =	strace s17  }
0x93: {  	s2 =	sld [smem:$0x3FFC];
	_ =	sdelay $0x3  }
0x94: {  	_ =	strace s2  }
0x95: {  	s2 =	sld [smem:$0x3FFD];
	_ =	sdelay $0x3  }
0x96: {  	_ =	strace s2  }
0x97: {  	_ =	strace $0x8FFFFFFF  }
0x98: {  	s18 =	sld [smem:$0x3FDB];
	_ =	sdelay $0x1  }
0x99: {  	s19 =	simm.s32 $_scs_section_size  }
0x9a: {  	s4 =	simm.s32 $_size__tile_overlayer_lowered;
	s5 =	simm.s32 $_tile_overlayer_lowered  }
0x9b: {  	s22 =	simm.s32 $0x1BFF;
	s21 =	sshll.u32 s5, $0x1;
	s2 =	sadd.s32 s19, s18  }
0x9c: {  	s6 =	simm.s32 $0x0;
	s20 =	sshll.u32 s4, $0x1;
	s4 =	sadd.s32 s21, s2  }
0x9d: {  	[timem:s6], [sflag:s22] =	dma.local [hbm:s4], s20  }
0x9e: {  	_ =	swait.ge [sflag:s22], s20  }
0x9f: {  	s3 =	ssub.s32 $0x0, s20;
	[sflag:s22] =	ssyncset.done $0x0  }
0xa0: {  	[sflag:s22] =	ssyncadd.s32 s3;
	_ =	sdelay $0x1  }
0xa1: {  	s23 =	simm.s32 $0x1B8B  }
0xa2: {  	_ =	swait.ge [sflag:s23], $0x1  }
0xa3: {  	[sflag:s23] =	ssyncset.done $0x0  }
0xa4: {  	s25 =	simm.s32 $0x1B8E;
	s24 =	sld [smem:$0x3FFE];
	[sflag:s23] =	ssyncadd.s32 $0xFFFFFFFF  }
0xa5: {  	s26 =	simm.s32 $execute0_lowered;
	[smem:$0x3FD2] =	sst s25  }
0xa6: {  	s4 =	sshll.u32 s26, $0x1;
	_ =	strace $0x80000046;
	[dreg:$0x1] =	wrdreg $0xFFFFFFFF  }
0xa7: {  	s28 =	simm.s32 $_size_execute0_lowered;
	s2 =	sadd.s32 s2, s4;
	[dreg:$0x0] =	wrdreg $0x0  }
0xa8: {  	s4 =	sshll.u32 s28, $0x1;
	[dreg:$0x2] =	wrdreg s2  }
0xa9: {  	[dreg:$0x3] =	wrdreg s4  }
0xaa: {  	[dreg:$0x4] =	wrdreg $0xC0  }
0xab: {  	_ =	task [dreg:s6], $0x5FFFF  }
0xac: {  	[dreg:$0x1] =	wrdreg $0xFFFFFFFF  }
0xad: {  	[dreg:$0x0] =	wrdreg $0x60  }
0xae: {  	[dreg:$0x2] =	wrdreg s24  }
0xaf: {  	[dreg:$0x3] =	wrdreg $0xA  }
0xb0: {  	_ =	task.clear_ibuf [dreg:s6], $0x4FFFF;
	_ =	strace $0x90000046  }
0xb1: {  	s29 =	simm.s32 $0xA;
	_ =	strace $0x80000048  }
0xb2: {  	_ =	swait.ge [sflag:s29], $0x1  }
0xb3: {  	[sflag:s29] =	ssyncadd.s32 $0xFFFFFFFF  }
0xb4: {  	_ =	strace $0x90000048  }
0xb5: {  	_ =	sfence  }
0xb6: {  	s30 =	sld [smem:$0x0];
	_ =	sdelay $0x2  }
0xb7: {  	s31 =	sshll.u32 s1, $0xD;
	s1 =	sshrl.u32 s1, $0x2  }
0xb8: {  	s3 =	sand.u32 $0x4000, s31;
	s1 =	sadd.s32 s1, s30  }
0xb9: {  	s0 =	sor.u32 s3, s0;
	s1 =	sshll.u32 s1, $0x11  }
0xba: {  	s0 =	sor.u32 s1, s0  }
0xbb: {  	s0 =	sadd.s32 $0x8F2B, s0  }
0xbc: {  	[sflag:s0] =	ssyncadd.remote.s32 $0x1  }
0xbd: {  	_ =	sfence.sel $0xFFFF  }
0xbe: {  	[dreg:$0x0] =	wrdreg $0xFFFFFFFF;
	(pc) =	sbr.abs _section_cstart, $3  }
0xbf: {  	[dreg:$0x1] =	wrdreg $0xFFFFFFFF  }
0xc0: {  	_ =	task.clear_ibuf [dreg:s6], $0x2FFFF;
	_ =	strace $0x9FFFFFFF  }
0xc1: {  	(tm) =	ssettm $0x7FFFFFFF  }
tec
execute0_lowered:
.L_overlay_start_1:
0x0: {  	(tag) =	ssettag $0x1  }
0x1: {  	s1 =	srdreg.scid  }
0x2: {  	s0 =	stileid.u32;
	s4 =	rddreg [dreg:$0x0]  }
0x3: {  	s2 =	simm.s32 $0x0;
	s9 =	simm.s32 $0x6800;
	s10 =	simm.s32 $0x2800  }
0x4: {  	v0 =	vlaneseq.u32;
	s11 =	simm.s32 $0xF800;
	s6 =	sand.u32 $0x1, s1;
	s29 =	sshll.u32 s0, $0x1  }
0x5: {  	s12 =	simm.s32 $0x9000;
	[smem:$0x7FF] =	sst s2;
	v0 =	vmul.u32 $0x186A0, v0;
	s3 =	sor.u32 s6, s29  }
0x6: {  	s1 =	rddreg [dreg:$0x1];
	_ =	strace $0x80000047;
	s5 =	smul.u32 $0xD000, s3  }
0x7: {  	s13 =	simm.s32 $0x16000;
	s3 =	smul.u32 $0x500, s3;
	v1 =	vadd.s32 $0x186A00, v0;
	v2 =	vadd.s32 $0x30D400, v0  }
0x8: {  	v3 =	vadd.s32 $0x493E00, v0;
	v4 =	vadd.s32 $0x61A800, v0;
	v5 =	vadd.s32 $0x7A1200, v0  }
0x9: {  	v6 =	vadd.s32 $0x927C00, v0;
	v7 =	vadd.s32 $0xAAE600, v0;
	v9 =	vadd.s32 $0xDBBA00, v0  }
0xa: {  	v10 =	vadd.s32 $0xF42400, v0;
	v11 =	vadd.s32 $0x10C8E00, v0;
	v12 =	vadd.s32 $0x124F800, v0  }
0xb: {  	s14 =	simm.s32 $0x1;
	s15 =	simm.s32 $0x2;
	s30 =	ssub.s32 $0x2, s6;
	v13 =	vadd.s32 $0x13D6200, v0;
	v14 =	vadd.s32 $0x155CC00, v0;
	v15 =	vadd.s32 $0x16E3600, v0  }
0xc: {  	s16 =	simm.s32 $0x0;
	s31 =	sshrl.u32 s30, $0x1;
	v16 =	vadd.s32 $0x19F0A00, v0;
	v17 =	vadd.s32 $0x1B77400, v0;
	v18 =	vadd.s32 $0x1CFDE00, v0;
	s5 =	sshrl.u32 s5, $0x3  }
0xd: {  	v8 =	vadd.s32 $0xC35000, v0;
	v19 =	vadd.s32 $0x1E84800, v0;
	v20 =	vadd.s32 $0x200B200, v0;
	s7 =	sadd.s32 s3, s4;
	s3 =	sadd.s32 $0x1C600, s4;
	s8 =	sadd.s32 s5, s4  }
0xe: {  	v21 =	vadd.s32 $0x186A000, v0;
	v22 =	vadd.s32 $0x2191C00, v0;
	s4 =	sadd.s32 $0x12600, s7;
	s7 =	ssub.s32 s30, s31;
	s5 =	sadd.s32 $0x512D00, s8  }
0xf: {  	v23 =	vadd.s32 $0x2318600, v0;
	v24 =	vadd.s32 $0x249F000, v0;
	v25 =	vadd.s32 $0x2625A00, v0;
	s6 =	sadd.s32 $0x512000, s8;
	s7 =	smax.u32 s7, $0x1;
	s8 =	simm.s32 $0x3  }
.LBB2_1:
0x10: {  	v26 =	vmov s2  }
0x11: {  	v26 =	vmul.u32 $0x50, v26;
	_ =	sdelay $0x1  }
0x12: {  	v26 =	vbroadcast v26, $0x0;
	_ =	sdelay $0x1  }
0x13: {  	[tilespmem:s2], [sflag:$0x3] =	stream.linear.gather [hbm4b:s4+s2], $0x2800, $0x38;
	[tilespmem:$0x1C800] =	vst v63  }
0x14: {  	_ =	swait.ge [sflag:s8], $0x2800  }
0x15: {  	[sflag:s8] =	ssyncset.done $0x0  }
0x16: {  	[sflag:s8] =	ssyncadd.s32 $0xFFFFD800  }
0x17: {  	v27 =	vld.idx.msk [tilespmem:v26+s2+$0x0], $0xffff;
	_ =	sdelay $0x1  }
0x18: {  	v28 =	vor.u32 $0x1, v26;
	_ =	sdelay $0x2  }
0x19: {  	s17 =	simm.s32 $0x28D0;
	v27 =	vadd.s32 v0, v27  }
0x1a: {  	[tilespmem:s17+$0xFFFFFF30] =	vst v27  }
0x1b: {  	v27 =	vld.idx.msk [tilespmem:v28+s2+$0x0], $0xffff;
	_ =	sdelay $0x1  }
0x1c: {  	v28 =	vor.u32 $0x2, v26;
	_ =	sdelay $0x2  }
0x1d: {  	v27 =	vadd.s32 v1, v27  }
0x1e: {  	[tilespmem:s17+$0xFFFFFF40] =	vst v27  }
0x1f: {  	v27 =	vld.idx.msk [tilespmem:v28+s2+$0x0], $0xffff;
	_ =	sdelay $0x1  }
0x20: {  	v28 =	vor.u32 $0x3, v26;
	_ =	sdelay $0x2  }
0x21: {  	v27 =	vadd.s32 v2, v27  }
0x22: {  	[tilespmem:s17+$0xFFFFFF50] =	vst v27  }
0x23: {  	v27 =	vld.idx.msk [tilespmem:v28+s2+$0x0], $0xffff;
	_ =	sdelay $0x1  }
0x24: {  	v28 =	vor.u32 $0x4, v26;
	_ =	sdelay $0x2  }
0x25: {  	v27 =	vadd.s32 v3, v27  }
0x26: {  	[tilespmem:s17+$0xFFFFFF60] =	vst v27  }
0x27: {  	v27 =	vld.idx.msk [tilespmem:v28+s2+$0x0], $0xffff;
	_ =	sdelay $0x1  }
0x28: {  	v28 =	vor.u32 $0x5, v26;
	_ =	sdelay $0x2  }
0x29: {  	v27 =	vadd.s32 v4, v27  }
0x2a: {  	[tilespmem:s17+$0xFFFFFF70] =	vst v27  }
0x2b: {  	v27 =	vld.idx.msk [tilespmem:v28+s2+$0x0], $0xffff;
	_ =	sdelay $0x1  }
0x2c: {  	v28 =	vor.u32 $0x6, v26;
	_ =	sdelay $0x2  }
0x2d: {  	v27 =	vadd.s32 v5, v27  }
0x2e: {  	[tilespmem:s17+$0xFFFFFF80] =	vst v27  }
0x2f: {  	v27 =	vld.idx.msk [tilespmem:v28+s2+$0x0], $0xffff;
	_ =	sdelay $0x1  }
0x30: {  	v28 =	vor.u32 $0x7, v26;
	_ =	sdelay $0x2  }
0x31: {  	v27 =	vadd.s32 v6, v27  }
0x32: {  	[tilespmem:s17+$0xFFFFFF90] =	vst v27  }
0x33: {  	v27 =	vld.idx.msk [tilespmem:v28+s2+$0x0], $0xffff;
	_ =	sdelay $0x1  }
0x34: {  	v28 =	vor.u32 $0x8, v26;
	_ =	sdelay $0x2  }
0x35: {  	v27 =	vadd.s32 v7, v27  }
0x36: {  	[tilespmem:s17+$0xFFFFFFA0] =	vst v27  }
0x37: {  	v27 =	vld.idx.msk [tilespmem:v28+s2+$0x0], $0xffff;
	_ =	sdelay $0x1  }
0x38: {  	v28 =	vor.u32 $0x9, v26;
	_ =	sdelay $0x2  }
0x39: {  	v27 =	vadd.s32 v8, v27  }
0x3a: {  	[tilespmem:s17+$0xFFFFFFB0] =	vst v27  }
0x3b: {  	v27 =	vld.idx.msk [tilespmem:v28+s2+$0x0], $0xffff;
	_ =	sdelay $0x1  }
0x3c: {  	v28 =	vor.u32 $0xA, v26;
	_ =	sdelay $0x2  }
0x3d: {  	v27 =	vadd.s32 v9, v27  }
0x3e: {  	[tilespmem:s17+$0xFFFFFFC0] =	vst v27  }
0x3f: {  	v27 =	vld.idx.msk [tilespmem:v28+s2+$0x0], $0xffff;
	_ =	sdelay $0x1  }
0x40: {  	v28 =	vor.u32 $0xB, v26;
	_ =	sdelay $0x2  }
0x41: {  	v27 =	vadd.s32 v10, v27  }
0x42: {  	[tilespmem:s17+$0xFFFFFFD0] =	vst v27  }
0x43: {  	v27 =	vld.idx.msk [tilespmem:v28+s2+$0x0], $0xffff;
	_ =	sdelay $0x1  }
0x44: {  	v28 =	vor.u32 $0xC, v26;
	_ =	sdelay $0x2  }
0x45: {  	v27 =	vadd.s32 v11, v27  }
0x46: {  	[tilespmem:s17+$0xFFFFFFE0] =	vst v27  }
0x47: {  	v27 =	vld.idx.msk [tilespmem:v28+s2+$0x0], $0xffff;
	_ =	sdelay $0x1  }
0x48: {  	v28 =	vor.u32 $0xD, v26;
	_ =	sdelay $0x2  }
0x49: {  	v27 =	vadd.s32 v12, v27  }
0x4a: {  	[tilespmem:s17+$0xFFFFFFF0] =	vst v27  }
0x4b: {  	v27 =	vld.idx.msk [tilespmem:v28+s2+$0x0], $0xffff;
	_ =	sdelay $0x1  }
0x4c: {  	v28 =	vor.u32 $0xE, v26;
	_ =	sdelay $0x2  }
0x4d: {  	v27 =	vadd.s32 v13, v27  }
0x4e: {  	[tilespmem:s17+$0x0] =	vst v27  }
0x4f: {  	v27 =	vld.idx.msk [tilespmem:v28+s2+$0x0], $0xffff;
	_ =	sdelay $0x1  }
0x50: {  	v28 =	vor.u32 $0xF, v26;
	_ =	sdelay $0x2  }
0x51: {  	v27 =	vadd.s32 v14, v27  }
0x52: {  	[tilespmem:s17+$0x10] =	vst v27  }
0x53: {  	v27 =	vld.idx.msk [tilespmem:v28+s2+$0x0], $0xffff;
	_ =	sdelay $0x1  }
0x54: {  	v28 =	vadd.s32 $0x10, v26;
	_ =	sdelay $0x2  }
0x55: {  	v27 =	vadd.s32 v15, v27  }
0x56: {  	[tilespmem:s17+$0x20] =	vst v27  }
0x57: {  	v27 =	vld.idx.msk [tilespmem:v28+s2+$0x0], $0xffff;
	_ =	sdelay $0x1  }
0x58: {  	v28 =	vadd.s32 $0x11, v26;
	_ =	sdelay $0x2  }
0x59: {  	v27 =	vadd.s32 v21, v27  }
0x5a: {  	[tilespmem:s17+$0x30] =	vst v27  }
0x5b: {  	v27 =	vld.idx.msk [tilespmem:v28+s2+$0x0], $0xffff;
	_ =	sdelay $0x1  }
0x5c: {  	v28 =	vadd.s32 $0x12, v26;
	_ =	sdelay $0x2  }
0x5d: {  	v27 =	vadd.s32 v16, v27  }
0x5e: {  	[tilespmem:s17+$0x40] =	vst v27  }
0x5f: {  	v27 =	vld.idx.msk [tilespmem:v28+s2+$0x0], $0xffff;
	_ =	sdelay $0x1  }
0x60: {  	v28 =	vadd.s32 $0x13, v26;
	_ =	sdelay $0x2  }
0x61: {  	v27 =	vadd.s32 v17, v27  }
0x62: {  	[tilespmem:s17+$0x50] =	vst v27  }
0x63: {  	v27 =	vld.idx.msk [tilespmem:v28+s2+$0x0], $0xffff;
	_ =	sdelay $0x1  }
0x64: {  	v28 =	vadd.s32 $0x14, v26;
	_ =	sdelay $0x2  }
0x65: {  	v27 =	vadd.s32 v18, v27  }
0x66: {  	[tilespmem:s17+$0x60] =	vst v27  }
0x67: {  	v27 =	vld.idx.msk [tilespmem:v28+s2+$0x0], $0xffff;
	_ =	sdelay $0x1  }
0x68: {  	v28 =	vadd.s32 $0x15, v26;
	_ =	sdelay $0x2  }
0x69: {  	v27 =	vadd.s32 v19, v27  }
0x6a: {  	[tilespmem:s17+$0x70] =	vst v27  }
0x6b: {  	v27 =	vld.idx.msk [tilespmem:v28+s2+$0x0], $0xffff;
	_ =	sdelay $0x1  }
0x6c: {  	v28 =	vadd.s32 $0x16, v26;
	_ =	sdelay $0x2  }
0x6d: {  	v27 =	vadd.s32 v20, v27  }
0x6e: {  	[tilespmem:s17+$0x80] =	vst v27  }
0x6f: {  	v27 =	vld.idx.msk [tilespmem:v28+s2+$0x0], $0xffff;
	_ =	sdelay $0x1  }
0x70: {  	v28 =	vadd.s32 $0x17, v26;
	_ =	sdelay $0x2  }
0x71: {  	v27 =	vadd.s32 v22, v27  }
0x72: {  	[tilespmem:s17+$0x90] =	vst v27  }
0x73: {  	v27 =	vld.idx.msk [tilespmem:v28+s2+$0x0], $0xffff;
	_ =	sdelay $0x1  }
0x74: {  	v28 =	vadd.s32 $0x18, v26;
	_ =	sdelay $0x2  }
0x75: {  	v27 =	vadd.s32 v23, v27  }
0x76: {  	[tilespmem:s17+$0xA0] =	vst v27  }
0x77: {  	v27 =	vld.idx.msk [tilespmem:v28+s2+$0x0], $0xffff;
	_ =	sdelay $0x1  }
0x78: {  	v26 =	vadd.s32 $0x19, v26;
	_ =	sdelay $0x2  }
0x79: {  	s18 =	simm.s32 $0x1;
	v28 =	vadd.s32 v24, v27  }
0x7a: {  	v27 =	vmov s18;
	s18 =	simm.s32 $0x2;
	[tilespmem:s17+$0xB0] =	vst v28  }
.LBB2_2:
0x7b: {  	p0 =	sne.s32 s18, $0x3F;
	v27 =	vmul.u32 $0x50, v27;
	v28 =	vld.idx.msk [tilespmem:v26+s2+$0x0], $0xffff;
	_ =	sdelay $0x1  }
0x7c: {  	v26 =	vbroadcast v27, $0x0;
	_ =	sdelay $0x3  }
0x7d: {  	v27 =	vadd.s32 v25, v28  }
0x7e: {  	[tilespmem:s17+$0xC0] =	vst v27  }
0x7f: {  	v27 =	vld.idx.msk [tilespmem:v26+s2+$0x0], $0xffff;
	_ =	sdelay $0x2  }
0x80: {  	v28 =	vor.u32 $0x1, v26;
	_ =	sdelay $0x2  }
0x81: {  	s17 =	sadd.s32 $0x1A0, s17;
	v27 =	vadd.s32 v0, v27  }
0x82: {  	[tilespmem:s17+$0xFFFFFF30] =	vst v27  }
0x83: {  	v27 =	vld.idx.msk [tilespmem:v28+s2+$0x0], $0xffff;
	_ =	sdelay $0x2  }
0x84: {  	v28 =	vor.u32 $0x2, v26;
	_ =	sdelay $0x2  }
0x85: {  	v27 =	vadd.s32 v1, v27  }
0x86: {  	[tilespmem:s17+$0xFFFFFF40] =	vst v27  }
0x87: {  	v27 =	vld.idx.msk [tilespmem:v28+s2+$0x0], $0xffff;
	_ =	sdelay $0x2  }
0x88: {  	v28 =	vor.u32 $0x3, v26;
	_ =	sdelay $0x2  }
0x89: {  	v27 =	vadd.s32 v2, v27  }
0x8a: {  	[tilespmem:s17+$0xFFFFFF50] =	vst v27  }
0x8b: {  	v27 =	vld.idx.msk [tilespmem:v28+s2+$0x0], $0xffff;
	_ =	sdelay $0x2  }
0x8c: {  	v28 =	vor.u32 $0x4, v26;
	_ =	sdelay $0x2  }
0x8d: {  	v27 =	vadd.s32 v3, v27  }
0x8e: {  	[tilespmem:s17+$0xFFFFFF60] =	vst v27  }
0x8f: {  	v27 =	vld.idx.msk [tilespmem:v28+s2+$0x0], $0xffff;
	_ =	sdelay $0x2  }
0x90: {  	v28 =	vor.u32 $0x5, v26;
	_ =	sdelay $0x2  }
0x91: {  	v27 =	vadd.s32 v4, v27  }
0x92: {  	[tilespmem:s17+$0xFFFFFF70] =	vst v27  }
0x93: {  	v27 =	vld.idx.msk [tilespmem:v28+s2+$0x0], $0xffff;
	_ =	sdelay $0x2  }
0x94: {  	v28 =	vor.u32 $0x6, v26;
	_ =	sdelay $0x2  }
0x95: {  	v27 =	vadd.s32 v5, v27  }
0x96: {  	[tilespmem:s17+$0xFFFFFF80] =	vst v27  }
0x97: {  	v27 =	vld.idx.msk [tilespmem:v28+s2+$0x0], $0xffff;
	_ =	sdelay $0x2  }
0x98: {  	v28 =	vor.u32 $0x7, v26;
	_ =	sdelay $0x2  }
0x99: {  	v27 =	vadd.s32 v6, v27  }
0x9a: {  	[tilespmem:s17+$0xFFFFFF90] =	vst v27  }
0x9b: {  	v27 =	vld.idx.msk [tilespmem:v28+s2+$0x0], $0xffff;
	_ =	sdelay $0x2  }
0x9c: {  	v28 =	vor.u32 $0x8, v26;
	_ =	sdelay $0x2  }
0x9d: {  	v27 =	vadd.s32 v7, v27  }
0x9e: {  	[tilespmem:s17+$0xFFFFFFA0] =	vst v27  }
0x9f: {  	v27 =	vld.idx.msk [tilespmem:v28+s2+$0x0], $0xffff;
	_ =	sdelay $0x2  }
0xa0: {  	v28 =	vor.u32 $0x9, v26;
	_ =	sdelay $0x2  }
0xa1: {  	v27 =	vadd.s32 v8, v27  }
0xa2: {  	[tilespmem:s17+$0xFFFFFFB0] =	vst v27  }
0xa3: {  	v27 =	vld.idx.msk [tilespmem:v28+s2+$0x0], $0xffff;
	_ =	sdelay $0x2  }
0xa4: {  	v28 =	vor.u32 $0xA, v26;
	_ =	sdelay $0x2  }
0xa5: {  	v27 =	vadd.s32 v9, v27  }
0xa6: {  	[tilespmem:s17+$0xFFFFFFC0] =	vst v27  }
0xa7: {  	v27 =	vld.idx.msk [tilespmem:v28+s2+$0x0], $0xffff;
	_ =	sdelay $0x2  }
0xa8: {  	v28 =	vor.u32 $0xB, v26;
	_ =	sdelay $0x2  }
0xa9: {  	v27 =	vadd.s32 v10, v27  }
0xaa: {  	[tilespmem:s17+$0xFFFFFFD0] =	vst v27  }
0xab: {  	v27 =	vld.idx.msk [tilespmem:v28+s2+$0x0], $0xffff;
	_ =	sdelay $0x2  }
0xac: {  	v28 =	vor.u32 $0xC, v26;
	_ =	sdelay $0x2  }
0xad: {  	v27 =	vadd.s32 v11, v27  }
0xae: {  	[tilespmem:s17+$0xFFFFFFE0] =	vst v27  }
0xaf: {  	v27 =	vld.idx.msk [tilespmem:v28+s2+$0x0], $0xffff;
	_ =	sdelay $0x2  }
0xb0: {  	v28 =	vor.u32 $0xD, v26;
	_ =	sdelay $0x2  }
0xb1: {  	v27 =	vadd.s32 v12, v27  }
0xb2: {  	[tilespmem:s17+$0xFFFFFFF0] =	vst v27  }
0xb3: {  	v27 =	vld.idx.msk [tilespmem:v28+s2+$0x0], $0xffff;
	_ =	sdelay $0x2  }
0xb4: {  	v28 =	vor.u32 $0xE, v26;
	_ =	sdelay $0x2  }
0xb5: {  	v27 =	vadd.s32 v13, v27  }
0xb6: {  	[tilespmem:s17+$0x0] =	vst v27  }
0xb7: {  	v27 =	vld.idx.msk [tilespmem:v28+s2+$0x0], $0xffff;
	_ =	sdelay $0x2  }
0xb8: {  	v28 =	vor.u32 $0xF, v26;
	_ =	sdelay $0x2  }
0xb9: {  	v27 =	vadd.s32 v14, v27  }
0xba: {  	[tilespmem:s17+$0x10] =	vst v27  }
0xbb: {  	v27 =	vld.idx.msk [tilespmem:v28+s2+$0x0], $0xffff;
	_ =	sdelay $0x2  }
0xbc: {  	v28 =	vadd.s32 $0x10, v26;
	_ =	sdelay $0x2  }
0xbd: {  	v27 =	vadd.s32 v15, v27  }
0xbe: {  	[tilespmem:s17+$0x20] =	vst v27  }
0xbf: {  	v27 =	vld.idx.msk [tilespmem:v28+s2+$0x0], $0xffff;
	_ =	sdelay $0x2  }
0xc0: {  	v28 =	vadd.s32 $0x11, v26;
	_ =	sdelay $0x2  }
0xc1: {  	v27 =	vadd.s32 v21, v27  }
0xc2: {  	[tilespmem:s17+$0x30] =	vst v27  }
0xc3: {  	v27 =	vld.idx.msk [tilespmem:v28+s2+$0x0], $0xffff;
	_ =	sdelay $0x2  }
0xc4: {  	v28 =	vadd.s32 $0x12, v26;
	_ =	sdelay $0x2  }
0xc5: {  	v27 =	vadd.s32 v16, v27  }
0xc6: {  	[tilespmem:s17+$0x40] =	vst v27  }
0xc7: {  	v27 =	vld.idx.msk [tilespmem:v28+s2+$0x0], $0xffff;
	_ =	sdelay $0x2  }
0xc8: {  	v28 =	vadd.s32 $0x13, v26;
	_ =	sdelay $0x2  }
0xc9: {  	v27 =	vadd.s32 v17, v27  }
0xca: {  	[tilespmem:s17+$0x50] =	vst v27  }
0xcb: {  	v27 =	vld.idx.msk [tilespmem:v28+s2+$0x0], $0xffff;
	_ =	sdelay $0x2  }
0xcc: {  	v28 =	vadd.s32 $0x14, v26;
	_ =	sdelay $0x2  }
0xcd: {  	v27 =	vadd.s32 v18, v27  }
0xce: {  	[tilespmem:s17+$0x60] =	vst v27  }
0xcf: {  	v27 =	vld.idx.msk [tilespmem:v28+s2+$0x0], $0xffff;
	_ =	sdelay $0x2  }
0xd0: {  	v28 =	vadd.s32 $0x15, v26;
	_ =	sdelay $0x2  }
0xd1: {  	v27 =	vadd.s32 v19, v27  }
0xd2: {  	[tilespmem:s17+$0x70] =	vst v27  }
0xd3: {  	v27 =	vld.idx.msk [tilespmem:v28+s2+$0x0], $0xffff;
	_ =	sdelay $0x2  }
0xd4: {  	v28 =	vadd.s32 $0x16, v26;
	_ =	sdelay $0x2  }
0xd5: {  	v27 =	vadd.s32 v20, v27  }
0xd6: {  	[tilespmem:s17+$0x80] =	vst v27  }
0xd7: {  	v27 =	vld.idx.msk [tilespmem:v28+s2+$0x0], $0xffff;
	_ =	sdelay $0x2  }
0xd8: {  	v28 =	vadd.s32 $0x17, v26;
	_ =	sdelay $0x2  }
0xd9: {  	v27 =	vadd.s32 v22, v27  }
0xda: {  	[tilespmem:s17+$0x90] =	vst v27  }
0xdb: {  	v27 =	vld.idx.msk [tilespmem:v28+s2+$0x0], $0xffff;
	_ =	sdelay $0x2  }
0xdc: {  	v28 =	vadd.s32 $0x18, v26;
	_ =	sdelay $0x2  }
0xdd: {  	v27 =	vadd.s32 v23, v27  }
0xde: {  	[tilespmem:s17+$0xA0] =	vst v27  }
0xdf: {  	v27 =	vld.idx.msk [tilespmem:v28+s2+$0x0], $0xffff;
	_ =	sdelay $0x2  }
.Ltmp0:
0xe0: {  	v26 =	vadd.s32 $0x19, v26;
	(pc) =	sbr.rel @p0 .LBB2_2-.Ltmp0, $3  }
0xe1: {  	_ =	sdelay $0x1  }
0xe2: {  	v28 =	vadd.s32 v24, v27  }
0xe3: {  	v27 =	vmov s18;
	s18 =	sadd.s32 $0x1, s18;
	[tilespmem:s17+$0xB0] =	vst v28  }
0xe4: {  	_ =	sdelay $0x2  }
0xe5: {  	v27 =	vmul.u32 $0x50, v27  }
0xe6: {  	v26 =	vld.idx.msk [tilespmem:v26+s2+$0x0], $0xffff  }
0xe7: {  	v27 =	vbroadcast v27, $0x0;
	_ =	sdelay $0x3  }
0xe8: {  	v26 =	vadd.s32 v25, v26  }
0xe9: {  	[tilespmem:s17+$0xC0] =	vst v26  }
0xea: {  	v26 =	vld.idx.msk [tilespmem:v27+s2+$0x0], $0xffff;
	_ =	sdelay $0x1  }
0xeb: {  	v28 =	vor.u32 $0x1, v27;
	_ =	sdelay $0x2  }
0xec: {  	s31 =	sadd.s32 $0x1A0, s17;
	v26 =	vadd.s32 v0, v26  }
0xed: {  	[tilespmem:s31+$0xFFFFFF30] =	vst v26  }
0xee: {  	v26 =	vld.idx.msk [tilespmem:v28+s2+$0x0], $0xffff;
	_ =	sdelay $0x1  }
0xef: {  	v28 =	vor.u32 $0x2, v27;
	_ =	sdelay $0x2  }
0xf0: {  	v26 =	vadd.s32 v1, v26  }
0xf1: {  	[tilespmem:s31+$0xFFFFFF40] =	vst v26  }
0xf2: {  	v26 =	vld.idx.msk [tilespmem:v28+s2+$0x0], $0xffff;
	_ =	sdelay $0x1  }
0xf3: {  	v28 =	vor.u32 $0x3, v27;
	_ =	sdelay $0x2  }
0xf4: {  	v26 =	vadd.s32 v2, v26  }
0xf5: {  	[tilespmem:s31+$0xFFFFFF50] =	vst v26  }
0xf6: {  	v26 =	vld.idx.msk [tilespmem:v28+s2+$0x0], $0xffff;
	_ =	sdelay $0x1  }
0xf7: {  	v28 =	vor.u32 $0x4, v27;
	_ =	sdelay $0x2  }
0xf8: {  	v26 =	vadd.s32 v3, v26  }
0xf9: {  	[tilespmem:s31+$0xFFFFFF60] =	vst v26  }
0xfa: {  	v26 =	vld.idx.msk [tilespmem:v28+s2+$0x0], $0xffff;
	_ =	sdelay $0x1  }
0xfb: {  	v28 =	vor.u32 $0x5, v27;
	_ =	sdelay $0x2  }
0xfc: {  	v26 =	vadd.s32 v4, v26  }
0xfd: {  	[tilespmem:s31+$0xFFFFFF70] =	vst v26  }
0xfe: {  	v26 =	vld.idx.msk [tilespmem:v28+s2+$0x0], $0xffff;
	_ =	sdelay $0x1  }
0xff: {  	v28 =	vor.u32 $0x6, v27;
	_ =	sdelay $0x2  }
0x100: {  	v26 =	vadd.s32 v5, v26  }
0x101: {  	[tilespmem:s31+$0xFFFFFF80] =	vst v26  }
0x102: {  	v26 =	vld.idx.msk [tilespmem:v28+s2+$0x0], $0xffff;
	_ =	sdelay $0x1  }
0x103: {  	v28 =	vor.u32 $0x7, v27;
	_ =	sdelay $0x2  }
0x104: {  	v26 =	vadd.s32 v6, v26  }
0x105: {  	[tilespmem:s31+$0xFFFFFF90] =	vst v26  }
0x106: {  	v26 =	vld.idx.msk [tilespmem:v28+s2+$0x0], $0xffff;
	_ =	sdelay $0x1  }
0x107: {  	v28 =	vor.u32 $0x8, v27;
	_ =	sdelay $0x2  }
0x108: {  	v26 =	vadd.s32 v7, v26  }
0x109: {  	[tilespmem:s31+$0xFFFFFFA0] =	vst v26  }
0x10a: {  	v26 =	vld.idx.msk [tilespmem:v28+s2+$0x0], $0xffff;
	_ =	sdelay $0x1  }
0x10b: {  	v28 =	vor.u32 $0x9, v27;
	_ =	sdelay $0x2  }
0x10c: {  	v26 =	vadd.s32 v8, v26  }
0x10d: {  	[tilespmem:s31+$0xFFFFFFB0] =	vst v26  }
0x10e: {  	v26 =	vld.idx.msk [tilespmem:v28+s2+$0x0], $0xffff;
	_ =	sdelay $0x1  }
0x10f: {  	v28 =	vor.u32 $0xA, v27;
	_ =	sdelay $0x2  }
0x110: {  	v26 =	vadd.s32 v9, v26  }
0x111: {  	[tilespmem:s31+$0xFFFFFFC0] =	vst v26  }
0x112: {  	v26 =	vld.idx.msk [tilespmem:v28+s2+$0x0], $0xffff;
	_ =	sdelay $0x1  }
0x113: {  	v28 =	vor.u32 $0xB, v27;
	_ =	sdelay $0x2  }
0x114: {  	v26 =	vadd.s32 v10, v26  }
0x115: {  	[tilespmem:s31+$0xFFFFFFD0] =	vst v26  }
0x116: {  	v26 =	vld.idx.msk [tilespmem:v28+s2+$0x0], $0xffff;
	_ =	sdelay $0x1  }
0x117: {  	v28 =	vor.u32 $0xC, v27;
	_ =	sdelay $0x2  }
0x118: {  	v26 =	vadd.s32 v11, v26  }
0x119: {  	[tilespmem:s31+$0xFFFFFFE0] =	vst v26  }
0x11a: {  	v26 =	vld.idx.msk [tilespmem:v28+s2+$0x0], $0xffff;
	_ =	sdelay $0x1  }
0x11b: {  	v28 =	vor.u32 $0xD, v27;
	_ =	sdelay $0x2  }
0x11c: {  	v26 =	vadd.s32 v12, v26  }
0x11d: {  	[tilespmem:s31+$0xFFFFFFF0] =	vst v26  }
0x11e: {  	v26 =	vld.idx.msk [tilespmem:v28+s2+$0x0], $0xffff;
	_ =	sdelay $0x1  }
0x11f: {  	v28 =	vor.u32 $0xE, v27;
	_ =	sdelay $0x2  }
0x120: {  	v26 =	vadd.s32 v13, v26  }
0x121: {  	[tilespmem:s31+$0x0] =	vst v26  }
0x122: {  	v26 =	vld.idx.msk [tilespmem:v28+s2+$0x0], $0xffff;
	_ =	sdelay $0x1  }
0x123: {  	v28 =	vor.u32 $0xF, v27;
	_ =	sdelay $0x2  }
0x124: {  	v26 =	vadd.s32 v14, v26  }
0x125: {  	[tilespmem:s31+$0x10] =	vst v26  }
0x126: {  	v26 =	vld.idx.msk [tilespmem:v28+s2+$0x0], $0xffff;
	_ =	sdelay $0x1  }
0x127: {  	v28 =	vadd.s32 $0x10, v27;
	_ =	sdelay $0x2  }
0x128: {  	v26 =	vadd.s32 v15, v26  }
0x129: {  	[tilespmem:s31+$0x20] =	vst v26  }
0x12a: {  	v26 =	vld.idx.msk [tilespmem:v28+s2+$0x0], $0xffff;
	_ =	sdelay $0x1  }
0x12b: {  	v28 =	vadd.s32 $0x11, v27;
	_ =	sdelay $0x2  }
0x12c: {  	v26 =	vadd.s32 v21, v26  }
0x12d: {  	[tilespmem:s31+$0x30] =	vst v26  }
0x12e: {  	v26 =	vld.idx.msk [tilespmem:v28+s2+$0x0], $0xffff;
	_ =	sdelay $0x1  }
0x12f: {  	v28 =	vadd.s32 $0x12, v27;
	_ =	sdelay $0x2  }
0x130: {  	v26 =	vadd.s32 v16, v26  }
0x131: {  	[tilespmem:s31+$0x40] =	vst v26  }
0x132: {  	v26 =	vld.idx.msk [tilespmem:v28+s2+$0x0], $0xffff;
	_ =	sdelay $0x1  }
0x133: {  	v28 =	vadd.s32 $0x13, v27;
	_ =	sdelay $0x2  }
0x134: {  	v26 =	vadd.s32 v17, v26  }
0x135: {  	[tilespmem:s31+$0x50] =	vst v26  }
0x136: {  	v26 =	vld.idx.msk [tilespmem:v28+s2+$0x0], $0xffff;
	_ =	sdelay $0x1  }
0x137: {  	v28 =	vadd.s32 $0x14, v27;
	_ =	sdelay $0x2  }
0x138: {  	v26 =	vadd.s32 v18, v26  }
0x139: {  	[tilespmem:s31+$0x60] =	vst v26  }
0x13a: {  	v26 =	vld.idx.msk [tilespmem:v28+s2+$0x0], $0xffff;
	_ =	sdelay $0x1  }
0x13b: {  	v28 =	vadd.s32 $0x15, v27;
	_ =	sdelay $0x2  }
0x13c: {  	v26 =	vadd.s32 v19, v26  }
0x13d: {  	[tilespmem:s31+$0x70] =	vst v26  }
0x13e: {  	v26 =	vld.idx.msk [tilespmem:v28+s2+$0x0], $0xffff;
	_ =	sdelay $0x1  }
0x13f: {  	v28 =	vadd.s32 $0x16, v27;
	_ =	sdelay $0x2  }
0x140: {  	v26 =	vadd.s32 v20, v26  }
0x141: {  	[tilespmem:s31+$0x80] =	vst v26  }
0x142: {  	v26 =	vld.idx.msk [tilespmem:v28+s2+$0x0], $0xffff;
	_ =	sdelay $0x1  }
0x143: {  	v28 =	vadd.s32 $0x17, v27;
	_ =	sdelay $0x2  }
0x144: {  	v26 =	vadd.s32 v22, v26  }
0x145: {  	[tilespmem:s31+$0x90] =	vst v26  }
0x146: {  	v26 =	vld.idx.msk [tilespmem:v28+s2+$0x0], $0xffff;
	_ =	sdelay $0x1  }
0x147: {  	v28 =	vadd.s32 $0x18, v27;
	_ =	sdelay $0x2  }
0x148: {  	v26 =	vadd.s32 v23, v26  }
0x149: {  	[tilespmem:s31+$0xA0] =	vst v26  }
0x14a: {  	v26 =	vld.idx.msk [tilespmem:v28+s2+$0x0], $0xffff;
	_ =	sdelay $0x1  }
0x14b: {  	v27 =	vadd.s32 $0x19, v27;
	_ =	sdelay $0x2  }
0x14c: {  	s18 =	simm.s32 $0x40;
	v26 =	vadd.s32 v24, v26  }
0x14d: {  	[tilespmem:s31+$0xB0] =	vst v26;
	v26 =	vmov s18  }
0x14e: {  	v27 =	vld.idx.msk [tilespmem:v27+s2+$0x0], $0xffff;
	v26 =	vmul.u32 $0x50, v26;
	_ =	sdelay $0x1  }
0x14f: {  	v26 =	vbroadcast v26, $0x0;
	_ =	sdelay $0x2  }
0x150: {  	v27 =	vadd.s32 v25, v27  }
0x151: {  	[tilespmem:s31+$0xC0] =	vst v27  }
0x152: {  	[tilespmem:s11], [sflag:$0x1] =	stream.indirect.gather [hbm4b:s3+s9], $0x1, s10, s9, $0xb8;
	[tilespmem:$0x1C800] =	vst v63  }
0x153: {  	v27 =	vld.idx.msk [tilespmem:v26+s2+$0x0], $0xffff;
	_ =	sdelay $0x1  }
0x154: {  	v28 =	vor.u32 $0x1, v26;
	_ =	sdelay $0x2  }
0x155: {  	s17 =	simm.s32 $0x0;
	v27 =	vadd.s32 v0, v27  }
0x156: {  	[tilespmem:s17+$0x9000] =	vst v27  }
0x157: {  	v27 =	vld.idx.msk [tilespmem:v28+s2+$0x0], $0xffff;
	_ =	sdelay $0x1  }
0x158: {  	v28 =	vor.u32 $0x2, v26;
	_ =	sdelay $0x2  }
0x159: {  	v27 =	vadd.s32 v1, v27  }
0x15a: {  	[tilespmem:s17+$0x9010] =	vst v27  }
0x15b: {  	v27 =	vld.idx.msk [tilespmem:v28+s2+$0x0], $0xffff;
	_ =	sdelay $0x1  }
0x15c: {  	v28 =	vor.u32 $0x3, v26;
	_ =	sdelay $0x2  }
0x15d: {  	v27 =	vadd.s32 v2, v27  }
0x15e: {  	[tilespmem:s17+$0x9020] =	vst v27  }
0x15f: {  	v27 =	vld.idx.msk [tilespmem:v28+s2+$0x0], $0xffff;
	_ =	sdelay $0x1  }
0x160: {  	v28 =	vor.u32 $0x4, v26;
	_ =	sdelay $0x2  }
0x161: {  	v27 =	vadd.s32 v3, v27  }
0x162: {  	[tilespmem:s17+$0x9030] =	vst v27  }
0x163: {  	v27 =	vld.idx.msk [tilespmem:v28+s2+$0x0], $0xffff;
	_ =	sdelay $0x1  }
0x164: {  	v28 =	vor.u32 $0x5, v26;
	_ =	sdelay $0x2  }
0x165: {  	v27 =	vadd.s32 v4, v27  }
0x166: {  	[tilespmem:s17+$0x9040] =	vst v27  }
0x167: {  	v27 =	vld.idx.msk [tilespmem:v28+s2+$0x0], $0xffff;
	_ =	sdelay $0x1  }
0x168: {  	v28 =	vor.u32 $0x6, v26;
	_ =	sdelay $0x2  }
0x169: {  	v27 =	vadd.s32 v5, v27  }
0x16a: {  	[tilespmem:s17+$0x9050] =	vst v27  }
0x16b: {  	v27 =	vld.idx.msk [tilespmem:v28+s2+$0x0], $0xffff;
	_ =	sdelay $0x1  }
0x16c: {  	v28 =	vor.u32 $0x7, v26;
	_ =	sdelay $0x2  }
0x16d: {  	v27 =	vadd.s32 v6, v27  }
0x16e: {  	[tilespmem:s17+$0x9060] =	vst v27  }
0x16f: {  	v27 =	vld.idx.msk [tilespmem:v28+s2+$0x0], $0xffff;
	_ =	sdelay $0x1  }
0x170: {  	v28 =	vor.u32 $0x8, v26;
	_ =	sdelay $0x2  }
0x171: {  	v27 =	vadd.s32 v7, v27  }
0x172: {  	[tilespmem:s17+$0x9070] =	vst v27  }
0x173: {  	v27 =	vld.idx.msk [tilespmem:v28+s2+$0x0], $0xffff;
	_ =	sdelay $0x1  }
0x174: {  	v28 =	vor.u32 $0x9, v26;
	_ =	sdelay $0x2  }
0x175: {  	v27 =	vadd.s32 v8, v27  }
0x176: {  	[tilespmem:s17+$0x9080] =	vst v27  }
0x177: {  	v27 =	vld.idx.msk [tilespmem:v28+s2+$0x0], $0xffff;
	_ =	sdelay $0x1  }
0x178: {  	v28 =	vor.u32 $0xA, v26;
	_ =	sdelay $0x2  }
0x179: {  	v27 =	vadd.s32 v9, v27  }
0x17a: {  	[tilespmem:s17+$0x9090] =	vst v27  }
0x17b: {  	v27 =	vld.idx.msk [tilespmem:v28+s2+$0x0], $0xffff;
	_ =	sdelay $0x1  }
0x17c: {  	v28 =	vor.u32 $0xB, v26;
	_ =	sdelay $0x2  }
0x17d: {  	v27 =	vadd.s32 v10, v27  }
0x17e: {  	[tilespmem:s17+$0x90A0] =	vst v27  }
0x17f: {  	v27 =	vld.idx.msk [tilespmem:v28+s2+$0x0], $0xffff;
	_ =	sdelay $0x1  }
0x180: {  	v28 =	vor.u32 $0xC, v26;
	_ =	sdelay $0x2  }
0x181: {  	v27 =	vadd.s32 v11, v27  }
0x182: {  	[tilespmem:s17+$0x90B0] =	vst v27  }
0x183: {  	v27 =	vld.idx.msk [tilespmem:v28+s2+$0x0], $0xffff;
	_ =	sdelay $0x1  }
0x184: {  	v28 =	vor.u32 $0xD, v26;
	_ =	sdelay $0x2  }
0x185: {  	v27 =	vadd.s32 v12, v27  }
0x186: {  	[tilespmem:s17+$0x90C0] =	vst v27  }
0x187: {  	v27 =	vld.idx.msk [tilespmem:v28+s2+$0x0], $0xffff;
	_ =	sdelay $0x1  }
0x188: {  	v28 =	vor.u32 $0xE, v26;
	_ =	sdelay $0x2  }
0x189: {  	v27 =	vadd.s32 v13, v27  }
0x18a: {  	[tilespmem:s17+$0x90D0] =	vst v27  }
0x18b: {  	v27 =	vld.idx.msk [tilespmem:v28+s2+$0x0], $0xffff;
	_ =	sdelay $0x1  }
0x18c: {  	v28 =	vor.u32 $0xF, v26;
	_ =	sdelay $0x2  }
0x18d: {  	v27 =	vadd.s32 v14, v27  }
0x18e: {  	[tilespmem:s17+$0x90E0] =	vst v27  }
0x18f: {  	v27 =	vld.idx.msk [tilespmem:v28+s2+$0x0], $0xffff;
	_ =	sdelay $0x1  }
0x190: {  	v28 =	vadd.s32 $0x10, v26;
	_ =	sdelay $0x2  }
0x191: {  	v27 =	vadd.s32 v15, v27  }
0x192: {  	[tilespmem:s17+$0x90F0] =	vst v27  }
0x193: {  	v27 =	vld.idx.msk [tilespmem:v28+s2+$0x0], $0xffff;
	_ =	sdelay $0x1  }
0x194: {  	v28 =	vadd.s32 $0x11, v26;
	_ =	sdelay $0x2  }
0x195: {  	v27 =	vadd.s32 v21, v27  }
0x196: {  	[tilespmem:s17+$0x9100] =	vst v27  }
0x197: {  	v27 =	vld.idx.msk [tilespmem:v28+s2+$0x0], $0xffff;
	_ =	sdelay $0x1  }
0x198: {  	v28 =	vadd.s32 $0x12, v26;
	_ =	sdelay $0x2  }
0x199: {  	v27 =	vadd.s32 v16, v27  }
0x19a: {  	[tilespmem:s17+$0x9110] =	vst v27  }
0x19b: {  	v27 =	vld.idx.msk [tilespmem:v28+s2+$0x0], $0xffff;
	_ =	sdelay $0x1  }
0x19c: {  	v28 =	vadd.s32 $0x13, v26;
	_ =	sdelay $0x2  }
0x19d: {  	v27 =	vadd.s32 v17, v27  }
0x19e: {  	[tilespmem:s17+$0x9120] =	vst v27  }
0x19f: {  	v27 =	vld.idx.msk [tilespmem:v28+s2+$0x0], $0xffff;
	_ =	sdelay $0x1  }
0x1a0: {  	v28 =	vadd.s32 $0x14, v26;
	_ =	sdelay $0x2  }
0x1a1: {  	v27 =	vadd.s32 v18, v27  }
0x1a2: {  	[tilespmem:s17+$0x9130] =	vst v27  }
0x1a3: {  	v27 =	vld.idx.msk [tilespmem:v28+s2+$0x0], $0xffff;
	_ =	sdelay $0x1  }
0x1a4: {  	v28 =	vadd.s32 $0x15, v26;
	_ =	sdelay $0x2  }
0x1a5: {  	v27 =	vadd.s32 v19, v27  }
0x1a6: {  	[tilespmem:s17+$0x9140] =	vst v27  }
0x1a7: {  	v27 =	vld.idx.msk [tilespmem:v28+s2+$0x0], $0xffff;
	_ =	sdelay $0x1  }
0x1a8: {  	v28 =	vadd.s32 $0x16, v26;
	_ =	sdelay $0x2  }
0x1a9: {  	v27 =	vadd.s32 v20, v27  }
0x1aa: {  	[tilespmem:s17+$0x9150] =	vst v27  }
0x1ab: {  	v27 =	vld.idx.msk [tilespmem:v28+s2+$0x0], $0xffff;
	_ =	sdelay $0x1  }
0x1ac: {  	v28 =	vadd.s32 $0x17, v26;
	_ =	sdelay $0x2  }
0x1ad: {  	v27 =	vadd.s32 v22, v27  }
0x1ae: {  	[tilespmem:s17+$0x9160] =	vst v27  }
0x1af: {  	v27 =	vld.idx.msk [tilespmem:v28+s2+$0x0], $0xffff;
	_ =	sdelay $0x1  }
0x1b0: {  	v28 =	vadd.s32 $0x18, v26;
	_ =	sdelay $0x2  }
0x1b1: {  	v27 =	vadd.s32 v23, v27  }
0x1b2: {  	[tilespmem:s17+$0x9170] =	vst v27  }
0x1b3: {  	v27 =	vld.idx.msk [tilespmem:v28+s2+$0x0], $0xffff;
	_ =	sdelay $0x1  }
0x1b4: {  	v26 =	vadd.s32 $0x19, v26;
	_ =	sdelay $0x2  }
0x1b5: {  	s19 =	simm.s32 $0x41;
	v28 =	vadd.s32 v24, v27  }
0x1b6: {  	s20 =	simm.s32 $0xD00;
	s18 =	simm.s32 $0x680;
	v27 =	vmov s19;
	[tilespmem:s17+$0x9180] =	vst v28  }
.LBB2_4:
0x1b7: {  	p0 =	sne.s32 s20, $0x19980;
	v27 =	vmul.u32 $0x50, v27;
	v28 =	vld.idx.msk [tilespmem:v26+s2+$0x0], $0xffff;
	_ =	sdelay $0x1  }
0x1b8: {  	v26 =	vbroadcast v27, $0x0;
	_ =	sdelay $0x3  }
0x1b9: {  	v27 =	vadd.s32 v25, v28  }
0x1ba: {  	[tilespmem:s17+$0x9190] =	vst v27  }
0x1bb: {  	v27 =	vld.idx.msk [tilespmem:v26+s2+$0x0], $0xffff;
	_ =	sdelay $0x2  }
0x1bc: {  	v28 =	vor.u32 $0x1, v26;
	_ =	sdelay $0x2  }
0x1bd: {  	s17 =	sshra.s32 s18, $0x2;
	s18 =	smov.u32 s20;
	v27 =	vadd.s32 v0, v27  }
0x1be: {  	[tilespmem:s17+$0x9000] =	vst v27  }
0x1bf: {  	v27 =	vld.idx.msk [tilespmem:v28+s2+$0x0], $0xffff;
	_ =	sdelay $0x2  }
0x1c0: {  	v28 =	vor.u32 $0x2, v26;
	_ =	sdelay $0x2  }
0x1c1: {  	v27 =	vadd.s32 v1, v27  }
0x1c2: {  	[tilespmem:s17+$0x9010] =	vst v27  }
0x1c3: {  	v27 =	vld.idx.msk [tilespmem:v28+s2+$0x0], $0xffff;
	_ =	sdelay $0x2  }
0x1c4: {  	v28 =	vor.u32 $0x3, v26;
	_ =	sdelay $0x2  }
0x1c5: {  	v27 =	vadd.s32 v2, v27  }
0x1c6: {  	[tilespmem:s17+$0x9020] =	vst v27  }
0x1c7: {  	v27 =	vld.idx.msk [tilespmem:v28+s2+$0x0], $0xffff;
	_ =	sdelay $0x2  }
0x1c8: {  	v28 =	vor.u32 $0x4, v26;
	_ =	sdelay $0x2  }
0x1c9: {  	v27 =	vadd.s32 v3, v27  }
0x1ca: {  	[tilespmem:s17+$0x9030] =	vst v27  }
0x1cb: {  	v27 =	vld.idx.msk [tilespmem:v28+s2+$0x0], $0xffff;
	_ =	sdelay $0x2  }
0x1cc: {  	v28 =	vor.u32 $0x5, v26;
	_ =	sdelay $0x2  }
0x1cd: {  	v27 =	vadd.s32 v4, v27  }
0x1ce: {  	[tilespmem:s17+$0x9040] =	vst v27  }
0x1cf: {  	v27 =	vld.idx.msk [tilespmem:v28+s2+$0x0], $0xffff;
	_ =	sdelay $0x2  }
0x1d0: {  	v28 =	vor.u32 $0x6, v26;
	_ =	sdelay $0x2  }
0x1d1: {  	v27 =	vadd.s32 v5, v27  }
0x1d2: {  	[tilespmem:s17+$0x9050] =	vst v27  }
0x1d3: {  	v27 =	vld.idx.msk [tilespmem:v28+s2+$0x0], $0xffff;
	_ =	sdelay $0x2  }
0x1d4: {  	v28 =	vor.u32 $0x7, v26;
	_ =	sdelay $0x2  }
0x1d5: {  	v27 =	vadd.s32 v6, v27  }
0x1d6: {  	[tilespmem:s17+$0x9060] =	vst v27  }
0x1d7: {  	v27 =	vld.idx.msk [tilespmem:v28+s2+$0x0], $0xffff;
	_ =	sdelay $0x2  }
0x1d8: {  	v28 =	vor.u32 $0x8, v26;
	_ =	sdelay $0x2  }
0x1d9: {  	v27 =	vadd.s32 v7, v27  }
0x1da: {  	[tilespmem:s17+$0x9070] =	vst v27  }
0x1db: {  	v27 =	vld.idx.msk [tilespmem:v28+s2+$0x0], $0xffff;
	_ =	sdelay $0x2  }
0x1dc: {  	v28 =	vor.u32 $0x9, v26;
	_ =	sdelay $0x2  }
0x1dd: {  	v27 =	vadd.s32 v8, v27  }
0x1de: {  	[tilespmem:s17+$0x9080] =	vst v27  }
0x1df: {  	v27 =	vld.idx.msk [tilespmem:v28+s2+$0x0], $0xffff;
	_ =	sdelay $0x2  }
0x1e0: {  	v28 =	vor.u32 $0xA, v26;
	_ =	sdelay $0x2  }
0x1e1: {  	v27 =	vadd.s32 v9, v27  }
0x1e2: {  	[tilespmem:s17+$0x9090] =	vst v27  }
0x1e3: {  	v27 =	vld.idx.msk [tilespmem:v28+s2+$0x0], $0xffff;
	_ =	sdelay $0x2  }
0x1e4: {  	v28 =	vor.u32 $0xB, v26;
	_ =	sdelay $0x2  }
0x1e5: {  	v27 =	vadd.s32 v10, v27  }
0x1e6: {  	[tilespmem:s17+$0x90A0] =	vst v27  }
0x1e7: {  	v27 =	vld.idx.msk [tilespmem:v28+s2+$0x0], $0xffff;
	_ =	sdelay $0x2  }
0x1e8: {  	v28 =	vor.u32 $0xC, v26;
	_ =	sdelay $0x2  }
0x1e9: {  	v27 =	vadd.s32 v11, v27  }
0x1ea: {  	[tilespmem:s17+$0x90B0] =	vst v27  }
0x1eb: {  	v27 =	vld.idx.msk [tilespmem:v28+s2+$0x0], $0xffff;
	_ =	sdelay $0x2  }
0x1ec: {  	v28 =	vor.u32 $0xD, v26;
	_ =	sdelay $0x2  }
0x1ed: {  	v27 =	vadd.s32 v12, v27  }
0x1ee: {  	[tilespmem:s17+$0x90C0] =	vst v27  }
0x1ef: {  	v27 =	vld.idx.msk [tilespmem:v28+s2+$0x0], $0xffff;
	_ =	sdelay $0x2  }
0x1f0: {  	v28 =	vor.u32 $0xE, v26;
	_ =	sdelay $0x2  }
0x1f1: {  	v27 =	vadd.s32 v13, v27  }
0x1f2: {  	[tilespmem:s17+$0x90D0] =	vst v27  }
0x1f3: {  	v27 =	vld.idx.msk [tilespmem:v28+s2+$0x0], $0xffff;
	_ =	sdelay $0x2  }
0x1f4: {  	v28 =	vor.u32 $0xF, v26;
	_ =	sdelay $0x2  }
0x1f5: {  	v27 =	vadd.s32 v14, v27  }
0x1f6: {  	[tilespmem:s17+$0x90E0] =	vst v27  }
0x1f7: {  	v27 =	vld.idx.msk [tilespmem:v28+s2+$0x0], $0xffff;
	_ =	sdelay $0x2  }
0x1f8: {  	v28 =	vadd.s32 $0x10, v26;
	_ =	sdelay $0x2  }
0x1f9: {  	v27 =	vadd.s32 v15, v27  }
0x1fa: {  	[tilespmem:s17+$0x90F0] =	vst v27  }
0x1fb: {  	v27 =	vld.idx.msk [tilespmem:v28+s2+$0x0], $0xffff;
	_ =	sdelay $0x2  }
0x1fc: {  	v28 =	vadd.s32 $0x11, v26;
	_ =	sdelay $0x2  }
0x1fd: {  	v27 =	vadd.s32 v21, v27  }
0x1fe: {  	[tilespmem:s17+$0x9100] =	vst v27  }
0x1ff: {  	v27 =	vld.idx.msk [tilespmem:v28+s2+$0x0], $0xffff;
	_ =	sdelay $0x2  }
0x200: {  	v28 =	vadd.s32 $0x12, v26;
	_ =	sdelay $0x2  }
0x201: {  	v27 =	vadd.s32 v16, v27  }
0x202: {  	[tilespmem:s17+$0x9110] =	vst v27  }
0x203: {  	v27 =	vld.idx.msk [tilespmem:v28+s2+$0x0], $0xffff;
	_ =	sdelay $0x2  }
0x204: {  	v28 =	vadd.s32 $0x13, v26;
	_ =	sdelay $0x2  }
0x205: {  	v27 =	vadd.s32 v17, v27  }
0x206: {  	[tilespmem:s17+$0x9120] =	vst v27  }
0x207: {  	v27 =	vld.idx.msk [tilespmem:v28+s2+$0x0], $0xffff;
	_ =	sdelay $0x2  }
0x208: {  	v28 =	vadd.s32 $0x14, v26;
	_ =	sdelay $0x2  }
0x209: {  	v27 =	vadd.s32 v18, v27  }
0x20a: {  	[tilespmem:s17+$0x9130] =	vst v27  }
0x20b: {  	v27 =	vld.idx.msk [tilespmem:v28+s2+$0x0], $0xffff;
	_ =	sdelay $0x2  }
0x20c: {  	v28 =	vadd.s32 $0x15, v26;
	_ =	sdelay $0x2  }
0x20d: {  	v27 =	vadd.s32 v19, v27  }
0x20e: {  	[tilespmem:s17+$0x9140] =	vst v27  }
0x20f: {  	v27 =	vld.idx.msk [tilespmem:v28+s2+$0x0], $0xffff;
	_ =	sdelay $0x2  }
0x210: {  	v28 =	vadd.s32 $0x16, v26;
	_ =	sdelay $0x2  }
0x211: {  	v27 =	vadd.s32 v20, v27  }
0x212: {  	[tilespmem:s17+$0x9150] =	vst v27  }
0x213: {  	v27 =	vld.idx.msk [tilespmem:v28+s2+$0x0], $0xffff;
	_ =	sdelay $0x2  }
0x214: {  	v28 =	vadd.s32 $0x17, v26;
	_ =	sdelay $0x2  }
0x215: {  	v27 =	vadd.s32 v22, v27  }
0x216: {  	[tilespmem:s17+$0x9160] =	vst v27  }
0x217: {  	v27 =	vld.idx.msk [tilespmem:v28+s2+$0x0], $0xffff;
	_ =	sdelay $0x2  }
0x218: {  	v28 =	vadd.s32 $0x18, v26;
	_ =	sdelay $0x2  }
0x219: {  	v27 =	vadd.s32 v23, v27  }
0x21a: {  	[tilespmem:s17+$0x9170] =	vst v27  }
0x21b: {  	v27 =	vld.idx.msk [tilespmem:v28+s2+$0x0], $0xffff;
	_ =	sdelay $0x2  }
.Ltmp1:
0x21c: {  	v26 =	vadd.s32 $0x19, v26;
	(pc) =	sbr.rel @p0 .LBB2_4-.Ltmp1, $3  }
0x21d: {  	_ =	sdelay $0x1  }
0x21e: {  	s19 =	sadd.s32 $0x1, s19;
	v28 =	vadd.s32 v24, v27  }
0x21f: {  	s20 =	sadd.s32 $0x680, s20;
	v27 =	vmov s19;
	[tilespmem:s17+$0x9180] =	vst v28  }
0x220: {  	_ =	sdelay $0x2  }
0x221: {  	v27 =	vmul.u32 $0x50, v27  }
0x222: {  	v26 =	vld.idx.msk [tilespmem:v26+s2+$0x0], $0xffff  }
0x223: {  	v27 =	vbroadcast v27, $0x0;
	_ =	sdelay $0x3  }
0x224: {  	v26 =	vadd.s32 v25, v26  }
0x225: {  	[tilespmem:s17+$0x9190] =	vst v26  }
0x226: {  	v26 =	vld.idx.msk [tilespmem:v27+s2+$0x0], $0xffff;
	_ =	sdelay $0x1  }
0x227: {  	v28 =	vor.u32 $0x1, v27;
	_ =	sdelay $0x2  }
0x228: {  	s31 =	sshra.s32 s18, $0x2;
	v26 =	vadd.s32 v0, v26  }
0x229: {  	[tilespmem:s31+$0x9000] =	vst v26  }
0x22a: {  	v26 =	vld.idx.msk [tilespmem:v28+s2+$0x0], $0xffff;
	_ =	sdelay $0x1  }
0x22b: {  	v41 =	vor.u32 $0x2, v27;
	_ =	sdelay $0x2  }
0x22c: {  	v26 =	vadd.s32 v1, v26  }
0x22d: {  	[tilespmem:s31+$0x9010] =	vst v26  }
0x22e: {  	v26 =	vld.idx.msk [tilespmem:v41+s2+$0x0], $0xffff;
	_ =	sdelay $0x1  }
0x22f: {  	v42 =	vor.u32 $0x3, v27;
	_ =	sdelay $0x2  }
0x230: {  	v26 =	vadd.s32 v2, v26  }
0x231: {  	[tilespmem:s31+$0x9020] =	vst v26  }
0x232: {  	v26 =	vld.idx.msk [tilespmem:v42+s2+$0x0], $0xffff;
	_ =	sdelay $0x1  }
0x233: {  	v43 =	vor.u32 $0x4, v27;
	_ =	sdelay $0x2  }
0x234: {  	v26 =	vadd.s32 v3, v26  }
0x235: {  	[tilespmem:s31+$0x9030] =	vst v26  }
0x236: {  	v26 =	vld.idx.msk [tilespmem:v43+s2+$0x0], $0xffff;
	_ =	sdelay $0x1  }
0x237: {  	v44 =	vor.u32 $0x5, v27;
	_ =	sdelay $0x2  }
0x238: {  	v26 =	vadd.s32 v4, v26  }
0x239: {  	[tilespmem:s31+$0x9040] =	vst v26  }
0x23a: {  	v26 =	vld.idx.msk [tilespmem:v44+s2+$0x0], $0xffff;
	_ =	sdelay $0x1  }
0x23b: {  	v45 =	vor.u32 $0x6, v27;
	_ =	sdelay $0x2  }
0x23c: {  	v26 =	vadd.s32 v5, v26  }
0x23d: {  	[tilespmem:s31+$0x9050] =	vst v26  }
0x23e: {  	v26 =	vld.idx.msk [tilespmem:v45+s2+$0x0], $0xffff;
	_ =	sdelay $0x1  }
0x23f: {  	v46 =	vor.u32 $0x7, v27;
	_ =	sdelay $0x2  }
0x240: {  	v26 =	vadd.s32 v6, v26  }
0x241: {  	[tilespmem:s31+$0x9060] =	vst v26  }
0x242: {  	v26 =	vld.idx.msk [tilespmem:v46+s2+$0x0], $0xffff;
	_ =	sdelay $0x1  }
0x243: {  	v47 =	vor.u32 $0x8, v27;
	_ =	sdelay $0x2  }
0x244: {  	v26 =	vadd.s32 v7, v26  }
0x245: {  	[tilespmem:s31+$0x9070] =	vst v26  }
0x246: {  	v26 =	vld.idx.msk [tilespmem:v47+s2+$0x0], $0xffff;
	_ =	sdelay $0x1  }
0x247: {  	v48 =	vor.u32 $0x9, v27;
	_ =	sdelay $0x2  }
0x248: {  	v26 =	vadd.s32 v8, v26  }
0x249: {  	[tilespmem:s31+$0x9080] =	vst v26  }
0x24a: {  	v26 =	vld.idx.msk [tilespmem:v48+s2+$0x0], $0xffff;
	_ =	sdelay $0x1  }
0x24b: {  	v49 =	vor.u32 $0xA, v27;
	_ =	sdelay $0x2  }
0x24c: {  	v26 =	vadd.s32 v9, v26  }
0x24d: {  	[tilespmem:s31+$0x9090] =	vst v26  }
0x24e: {  	v26 =	vld.idx.msk [tilespmem:v49+s2+$0x0], $0xffff;
	_ =	sdelay $0x1  }
0x24f: {  	v50 =	vor.u32 $0xB, v27;
	_ =	sdelay $0x2  }
0x250: {  	v26 =	vadd.s32 v10, v26  }
0x251: {  	[tilespmem:s31+$0x90A0] =	vst v26  }
0x252: {  	v26 =	vld.idx.msk [tilespmem:v50+s2+$0x0], $0xffff;
	_ =	sdelay $0x1  }
0x253: {  	v51 =	vor.u32 $0xC, v27;
	_ =	sdelay $0x2  }
0x254: {  	v26 =	vadd.s32 v11, v26  }
0x255: {  	[tilespmem:s31+$0x90B0] =	vst v26  }
0x256: {  	v26 =	vld.idx.msk [tilespmem:v51+s2+$0x0], $0xffff;
	_ =	sdelay $0x1  }
0x257: {  	v52 =	vor.u32 $0xD, v27;
	_ =	sdelay $0x2  }
0x258: {  	v26 =	vadd.s32 v12, v26  }
0x259: {  	[tilespmem:s31+$0x90C0] =	vst v26  }
0x25a: {  	v26 =	vld.idx.msk [tilespmem:v52+s2+$0x0], $0xffff;
	_ =	sdelay $0x1  }
0x25b: {  	v53 =	vor.u32 $0xE, v27;
	_ =	sdelay $0x2  }
0x25c: {  	v26 =	vadd.s32 v13, v26  }
0x25d: {  	[tilespmem:s31+$0x90D0] =	vst v26  }
0x25e: {  	v26 =	vld.idx.msk [tilespmem:v53+s2+$0x0], $0xffff;
	_ =	sdelay $0x1  }
0x25f: {  	v54 =	vor.u32 $0xF, v27;
	_ =	sdelay $0x2  }
0x260: {  	v26 =	vadd.s32 v14, v26  }
0x261: {  	[tilespmem:s31+$0x90E0] =	vst v26  }
0x262: {  	v26 =	vld.idx.msk [tilespmem:v54+s2+$0x0], $0xffff;
	_ =	sdelay $0x1  }
0x263: {  	v55 =	vadd.s32 $0x10, v27;
	_ =	sdelay $0x2  }
0x264: {  	v26 =	vadd.s32 v15, v26  }
0x265: {  	[tilespmem:s31+$0x90F0] =	vst v26  }
0x266: {  	v26 =	vld.idx.msk [tilespmem:v55+s2+$0x0], $0xffff;
	_ =	sdelay $0x1  }
0x267: {  	v56 =	vadd.s32 $0x11, v27;
	_ =	sdelay $0x2  }
0x268: {  	v26 =	vadd.s32 v21, v26  }
0x269: {  	[tilespmem:s31+$0x9100] =	vst v26  }
0x26a: {  	v26 =	vld.idx.msk [tilespmem:v56+s2+$0x0], $0xffff;
	_ =	sdelay $0x1  }
0x26b: {  	v57 =	vadd.s32 $0x12, v27;
	_ =	sdelay $0x2  }
0x26c: {  	v26 =	vadd.s32 v16, v26  }
0x26d: {  	[tilespmem:s31+$0x9110] =	vst v26  }
0x26e: {  	v26 =	vld.idx.msk [tilespmem:v57+s2+$0x0], $0xffff;
	_ =	sdelay $0x1  }
0x26f: {  	v58 =	vadd.s32 $0x13, v27;
	_ =	sdelay $0x2  }
0x270: {  	v26 =	vadd.s32 v17, v26  }
0x271: {  	[tilespmem:s31+$0x9120] =	vst v26  }
0x272: {  	v26 =	vld.idx.msk [tilespmem:v58+s2+$0x0], $0xffff;
	_ =	sdelay $0x1  }
0x273: {  	v59 =	vadd.s32 $0x14, v27;
	_ =	sdelay $0x2  }
0x274: {  	v26 =	vadd.s32 v18, v26  }
0x275: {  	[tilespmem:s31+$0x9130] =	vst v26  }
0x276: {  	v26 =	vld.idx.msk [tilespmem:v59+s2+$0x0], $0xffff;
	_ =	sdelay $0x1  }
0x277: {  	v60 =	vadd.s32 $0x15, v27;
	_ =	sdelay $0x2  }
0x278: {  	v26 =	vadd.s32 v19, v26  }
0x279: {  	[tilespmem:s31+$0x9140] =	vst v26  }
0x27a: {  	v26 =	vld.idx.msk [tilespmem:v60+s2+$0x0], $0xffff;
	_ =	sdelay $0x1  }
0x27b: {  	v61 =	vadd.s32 $0x16, v27;
	_ =	sdelay $0x2  }
0x27c: {  	v26 =	vadd.s32 v20, v26  }
0x27d: {  	[tilespmem:s31+$0x9150] =	vst v26  }
0x27e: {  	v26 =	vld.idx.msk [tilespmem:v61+s2+$0x0], $0xffff;
	_ =	sdelay $0x1  }
0x27f: {  	v62 =	vadd.s32 $0x17, v27;
	_ =	sdelay $0x2  }
0x280: {  	v26 =	vadd.s32 v22, v26  }
0x281: {  	[tilespmem:s31+$0x9160] =	vst v26  }
0x282: {  	v26 =	vld.idx.msk [tilespmem:v62+s2+$0x0], $0xffff;
	_ =	sdelay $0x1  }
0x283: {  	v63 =	vadd.s32 $0x18, v27;
	_ =	sdelay $0x2  }
0x284: {  	v26 =	vadd.s32 v23, v26  }
0x285: {  	[tilespmem:s31+$0x9170] =	vst v26  }
0x286: {  	v26 =	vld.idx.msk [tilespmem:v63+s2+$0x0], $0xffff;
	_ =	sdelay $0x1  }
0x287: {  	v27 =	vadd.s32 $0x19, v27;
	_ =	sdelay $0x2  }
0x288: {  	v26 =	vadd.s32 v24, v26  }
0x289: {  	[tilespmem:s31+$0x9180] =	vst v26  }
0x28a: {  	v26 =	vld.idx.msk [tilespmem:v27+s2+$0x0], $0xffff;
	_ =	sdelay $0x4  }
0x28b: {  	v26 =	vadd.s32 v25, v26  }
0x28c: {  	[tilespmem:s31+$0x9190] =	vst v26  }
0x28d: {  	[tilespmem:s13], [sflag:$0x2] =	stream.indirect.gather [hbm4b:s3+s9], $0x1, s12, s9, $0xb8;
	[tilespmem:$0x1C800] =	vst v63  }
0x28e: {  	_ =	swait.ge [sflag:s14], $0x6800  }
0x28f: {  	[sflag:s14] =	ssyncset.done $0x0  }
0x290: {  	[sflag:s14] =	ssyncadd.s32 $0xFFFF9800  }
0x291: {  	[hbm4b:s6+s2] =	stream.linear.scatter [tilespmem:s11], [sflag:$0x3], $0x6800, $0x38;
	[tilespmem:$0x1C800] =	vst v63  }
0x292: {  	_ =	swait.ge [sflag:s8], $0x6800  }
0x293: {  	[sflag:s8] =	ssyncset.done $0x0  }
0x294: {  	[sflag:s8] =	ssyncadd.s32 $0xFFFF9800  }
0x295: {  	s16 =	sadd.s32 $0x1, s16;
	_ =	swait.ge [sflag:s15], $0x6800  }
0x296: {  	p0 =	sne.s32 s16, s7;
	[sflag:s15] =	ssyncset.done $0x0  }
.Ltmp2:
0x297: {  	[sflag:s15] =	ssyncadd.s32 $0xFFFF9800;
	(pc) =	sbr.rel @p0 .LBB2_1-.Ltmp2, $4  }
0x298: {  	[hbm4b:s5+s2] =	stream.linear.scatter [tilespmem:s13], [sflag:$0x3], $0x6800, $0x38;
	[tilespmem:$0x1C800] =	vst v63  }
0x299: {  	_ =	swait.ge [sflag:s8], $0x6800  }
0x29a: {  	[sflag:s8] =	ssyncset.done $0x0  }
0x29b: {  	[sflag:s8] =	ssyncadd.s32 $0xFFFF9800  }
0x29c: {  	_ =	sfence.sel $0x180000  }
0x29d: {  	[bflag:$0x0] =	sbarrier.arrive $0xFFFF  }
0x29e: {  	p0 =	sne.s32 s0, $0x0;
	_ =	strace $0x90000047  }
0x29f: {  	s0 =	sadd.s32 @!p0 $0x100000, s1;
	[bflag:$0x2] =	sbarrier.arrive $0xFFFF  }
0x2a0: {  	[sflag:s0] =	ssyncadd.tile.s32 @!p0 $0x1;
	_ =	shalt  }
.Lfunc_end2:
_tile_overlayer_lowered:
.L_overlay_start_2:
0x2a1: {  	(tag) =	ssettag $0x2  }
0x2a2: {  	s0 =	rddreg [dreg:$0x0];
	s2 =	stileid.u32  }
0x2a3: {  	s1 =	rddreg [dreg:$0x1];
	p0 =	sne.s32 s2, $0x0  }
0x2a4: {  	s3 =	rddreg [dreg:$0x2];
	[bflag:$0x3] =	sbarrier.arrive $0xFFFF;
	s2 =	simm.s32 @!p0 $0x1C03  }
0x2a5: {  	[timem:s3], [sflag:s2] =	dma.local @!p0 [hbm:s0], s1  }
0x2a6: {  	s0 =	simm.s32 @!p0 $0x3  }
0x2a7: {  	_ =	swait.ge @!p0 [sflag:s0], s1  }
0x2a8: {  	s1 =	ssub.s32 @!p0 $0x0, s1;
	[sflag:s0] =	ssyncset.done @!p0 $0x0  }
0x2a9: {  	[sflag:s0] =	ssyncadd.s32 @!p0 s1  }
0x2aa: {  	[bflag:$0x3] =	sbarrier.arrive $0xFFFF  }
0x2ab: {  	_ =	shalt  }

</sc_bundles>
